<compile_context>
chip_gen: v7x
topology: tpu7x:2x2x1
jax: 0.10.2.dev20260603
libtpu: 0.0.44.dev20260713+nightly
codegen_flags: <defaults>
</compile_context>

<pallas_src>
import functools

import jax
import jax.numpy as jnp
from jax import lax
from jax.experimental import pallas as pl
from jax.experimental.pallas import tpu as pltpu
from jax.experimental.pallas import tpu_sc as plsc

N, D, E = 10000, 128, 320000
NC, NS = 2, 16
DH = D // NC
EPT = E // NS
CH = 125
NCHUNK = EPT // CH
NB = 3
NP = 10240
RPT = NP // NS
BN_EPS = 1e-5


def _make_agg():
    mesh = plsc.VectorSubcoreMesh(core_axis_name="c", subcore_axis_name="s")

    @functools.partial(
        pl.kernel,
        mesh=mesh,
        compiler_params=pltpu.CompilerParams(use_tc_tiling_on_sc=False),
        out_type=jax.ShapeDtypeStruct((NP, D), jnp.float32),
        scratch_types=[
            pltpu.VMEM((NCHUNK, CH), jnp.int32),
            pltpu.VMEM((NCHUNK, CH), jnp.int32),
            [pltpu.VMEM((CH, DH), jnp.float32) for _ in range(NB)],
            pltpu.VMEM_SHARED((NP, DH), jnp.float32),
            [pltpu.SemaphoreType.DMA for _ in range(NB)],
            [pltpu.SemaphoreType.DMA for _ in range(NB)],
        ],
    )
    def agg(x_hbm, src_hbm, dst_hbm, zero_hbm, out_hbm,
            src_v, dst_v, rows, acc_sh, gsem, ssem):
        c = lax.axis_index("c")
        s = lax.axis_index("s")

        z0 = pltpu.async_copy(zero_hbm, acc_sh.at[pl.ds(s * RPT, RPT)],
                              gsem[0])
        i0 = pltpu.async_copy(src_hbm.at[s], src_v, gsem[1])
        i1 = pltpu.async_copy(dst_hbm.at[s], dst_v, gsem[2])
        z0.wait()
        i0.wait()
        i1.wait()
        plsc.subcore_barrier()

        xc_hbm = x_hbm.at[pl.ds(c, NC * N - 1)]

        def body(k, carry):
            for j in range(NB):
                m = NB * k + j
                bf = (j + 2) % NB

                @pl.when((m + 2 < NCHUNK) & (m >= 1))
                def _():
                    pltpu.make_async_copy(rows[bf], acc_sh.at[dst_v.at[0]],
                                          ssem[bf]).wait()

                @pl.when((m + 2 < NCHUNK) & (m + 2 >= 0))
                def _():
                    pltpu.async_copy(xc_hbm.at[src_v.at[m + 2]], rows[bf],
                                     gsem[bf])

                @pl.when((m >= 0) & (m < NCHUNK))
                def _():
                    pltpu.make_async_copy(xc_hbm.at[src_v.at[0]], rows[j],
                                          gsem[j]).wait()
                    pltpu.async_copy(rows[j], acc_sh.at[dst_v.at[m]],
                                     ssem[j], add=True)

            return carry

        lax.fori_loop(-1, (NCHUNK + NB - 1) // NB, body, 0)
        for j in range(NB):
            pltpu.make_async_copy(rows[j], acc_sh.at[dst_v.at[0]],
                                  ssem[j]).wait()
        plsc.subcore_barrier()

        pltpu.sync_copy(acc_sh.at[pl.ds(s * RPT, RPT)],
                        out_hbm.at[pl.ds(s * RPT, RPT), pl.ds(c * DH, DH)])

    return agg


_agg_cache = []


def _agg(*args):
    if not _agg_cache:
        _agg_cache.append(_make_agg())
    return _agg_cache[0](*args)


def _mlp1_body(parts_ref, x_ref, w_ref, b_ref, gm_ref, bt_ref, out_ref):
    aggv = parts_ref[:N] + x_ref[...]
    y = jnp.dot(aggv, w_ref[...], preferred_element_type=jnp.float32)
    y = y + b_ref[...]
    mu = jnp.mean(y, axis=0, keepdims=True)
    var = jnp.mean((y - mu) ** 2, axis=0, keepdims=True)
    yn = gm_ref[...] * (y - mu) * lax.rsqrt(var + BN_EPS) + bt_ref[...]
    out_ref[...] = jnp.maximum(yn, 0.0)


def _mlp2_body(parts_ref, x_ref, wa_ref, ba_ref, gm_ref, bt_ref, wb_ref,
               bb_ref, out_ref):
    aggv = parts_ref[:N] + x_ref[...]
    y = jnp.dot(aggv, wa_ref[...], preferred_element_type=jnp.float32)
    y = y + ba_ref[...]
    mu = jnp.mean(y, axis=0, keepdims=True)
    var = jnp.mean((y - mu) ** 2, axis=0, keepdims=True)
    z = jnp.maximum(gm_ref[...] * (y - mu) * lax.rsqrt(var + BN_EPS)
                    + bt_ref[...], 0.0)
    h2 = jnp.dot(z, wb_ref[...], preferred_element_type=jnp.float32)
    out_ref[...] = jnp.maximum(h2 + bb_ref[...], 0.0)


def _mlp1(parts, x, W1, b1, g1, be1):
    return pl.pallas_call(
        _mlp1_body,
        out_shape=jax.ShapeDtypeStruct((N, D), jnp.float32),
    )(parts, x, W1, b1.reshape(1, D), g1.reshape(1, D), be1.reshape(1, D))


def _mlp2(parts, x, W2a, b2a, g2, be2, W2b, b2b):
    return pl.pallas_call(
        _mlp2_body,
        out_shape=jax.ShapeDtypeStruct((N, D), jnp.float32),
    )(parts, x, W2a, b2a.reshape(1, D), g2.reshape(1, D), be2.reshape(1, D),
      W2b, b2b.reshape(1, D))


def kernel(g, h, W1, b1, g1, be1, W2a, b2a, g2, be2, W2b, b2b):
    src0, dst0 = lax.optimization_barrier(
        (g[0].astype(jnp.int32), g[1].astype(jnp.int32)))
    src2 = (2 * src0).reshape(NS, NCHUNK, CH)
    dst = dst0.reshape(NS, NCHUNK, CH)
    zeros = jnp.zeros((RPT, DH), jnp.float32)
    parts1 = _agg(h.reshape(N * NC, DH), src2, dst, zeros)
    h1 = _mlp1(parts1, h, W1, b1, g1, be1)
    parts2 = _agg(h1.reshape(N * NC, DH), src2, dst, zeros)
    return _mlp2(parts2, h1, W2a, b2a, g2, be2, W2b, b2b)

# --- scband reference (transcript-rebuilt; emitter-appended) ---
"""Pipeline reference for scband-gin-57337813402032 (READ-ONLY COPY).

The authoritative reference and input builder live on the scoring server;
editing this copy changes nothing except your own understanding.
"""

import jax, jax.numpy as jnp
import numpy as np

N, D, H, E = 10000, 128, 128, 320000

def _batchnorm(x, gamma, beta, eps=1e-5):
    mu = jnp.mean(x, axis=0)
    var = jnp.var(x, axis=0)
    return gamma * (x - mu) / jnp.sqrt(var + eps) + beta

def setup_inputs(seed: int = 0) -> dict:
    key = jax.random.key(seed)
    ks = jax.random.split(key, 12)
    g = jax.random.randint(ks[0], (2, E), 0, N)
    h = jax.random.normal(ks[1], (N, D), dtype=jnp.float32)
    s = 0.05
    W1 = jax.random.normal(ks[2], (D, H), dtype=jnp.float32) * s
    b1 = jnp.zeros((H,), dtype=jnp.float32)
    g1 = jnp.ones((H,), dtype=jnp.float32)
    be1 = jnp.zeros((H,), dtype=jnp.float32)
    W2a = jax.random.normal(ks[3], (H, H), dtype=jnp.float32) * s
    b2a = jnp.zeros((H,), dtype=jnp.float32)
    g2 = jnp.ones((H,), dtype=jnp.float32)
    be2 = jnp.zeros((H,), dtype=jnp.float32)
    W2b = jax.random.normal(ks[4], (H, H), dtype=jnp.float32) * s
    b2b = jnp.zeros((H,), dtype=jnp.float32)
    return {"g": g, "h": h, "W1": W1, "b1": b1, "g1": g1, "be1": be1,
            "W2a": W2a, "b2a": b2a, "g2": g2, "be2": be2, "W2b": W2b, "b2b": b2b}

def reference(g, h, W1, b1, g1, be1, W2a, b2a, g2, be2, W2b, b2b):
    src, dst = g[0], g[1]
    # GINConv layer 1: sum-aggregate neighbors then (1+eps)*x with eps=0
    agg1 = jnp.zeros_like(h).at[dst].add(h[src]) + h
    h1 = jax.nn.relu(_batchnorm(agg1 @ W1 + b1, g1, be1))
    # GINConv layer 2
    agg2 = jnp.zeros_like(h1).at[dst].add(h1[src]) + h1
    z = jax.nn.relu(_batchnorm(agg2 @ W2a + b2a, g2, be2))
    h2 = jax.nn.relu(z @ W2b + b2b)
    return h2

if __name__ == "__main__":
    import jax
    _d = setup_inputs()
    print(jax.jit(kernel)(*tuple(_d.values())))

</pallas_src>

<mosaic_0001>
#map = affine_map<(d0, d1) -> (0, 0)>
#map1 = affine_map<(d0, d1) -> (0, 0, 0)>
module attributes {stable_mosaic.version = 14 : i64} {
  func.func @agg(%arg0: i32, %arg1: i32, %arg2: memref<20000x64xf32, #tpu.memory_space<hbm>>, %arg3: memref<16x160x125xi32, #tpu.memory_space<hbm>>, %arg4: memref<16x160x125xi32, #tpu.memory_space<hbm>>, %arg5: memref<640x64xf32, #tpu.memory_space<hbm>>, %arg6: memref<10240x128xf32, #tpu.memory_space<hbm>>, %arg7: memref<160x125xi32, #tpu.memory_space<vmem>>, %arg8: memref<160x125xi32, #tpu.memory_space<vmem>>, %arg9: memref<125x64xf32, #tpu.memory_space<vmem>>, %arg10: memref<125x64xf32, #tpu.memory_space<vmem>>, %arg11: memref<125x64xf32, #tpu.memory_space<vmem>>, %arg12: memref<10240x64xf32, #tpu.memory_space<vmem_shared>>, %arg13: memref<!tpu.dma_semaphore, #tpu.memory_space<semaphore_mem>>, %arg14: memref<!tpu.dma_semaphore, #tpu.memory_space<semaphore_mem>>, %arg15: memref<!tpu.dma_semaphore, #tpu.memory_space<semaphore_mem>>, %arg16: memref<!tpu.dma_semaphore, #tpu.memory_space<semaphore_mem>>, %arg17: memref<!tpu.dma_semaphore, #tpu.memory_space<semaphore_mem>>, %arg18: memref<!tpu.dma_semaphore, #tpu.memory_space<semaphore_mem>>) attributes {dimension_semantics = [#tpu.dimension_semantics<core_parallel>, #tpu.dimension_semantics<subcore_parallel>], iteration_bounds = array<i64: 2, 16>, scalar_prefetch = 0 : i64, scratch_operands = 12 : i64, tpu.core_type = #tpu.core_type<sc_vector_subcore>, window_params = [{transform_indices = #map}, {transform_indices = #map1}, {transform_indices = #map1}, {transform_indices = #map}, {transform_indices = #map}]} {
    %mul3A = arith.constant 640 : i32
    %mul3A_0 = arith.muli %arg1, %mul3A : i32
    %dma_start3A = arith.constant 0 : i32
    %dma_start3A_1 = tpu.memref_slice %arg12[%mul3A_0, %dma_start3A] : memref<10240x64xf32, #tpu.memory_space<vmem_shared>> -> memref<640x64xf32, #tpu.memory_space<vmem_shared>>
    tpu.enqueue_dma source(%arg5 : memref<640x64xf32, #tpu.memory_space<hbm>>) target(%dma_start3A_1 : memref<640x64xf32, #tpu.memory_space<vmem_shared>>) target_semaphore(%arg13 : memref<!tpu.dma_semaphore, #tpu.memory_space<semaphore_mem>>)
    %dma_start3A_2 = arith.constant 0 : i32
    %dma_start3A_3 = arith.constant 0 : i32
    %dma_start3A_4 = tpu.memref_slice %arg3[%arg1, %dma_start3A_2, %dma_start3A_3] : memref<16x160x125xi32, #tpu.memory_space<hbm>> -> memref<1x160x125xi32, #tpu.memory_space<hbm>>
    %dma_start3A_5 = tpu.memref_squeeze %dma_start3A_4 : memref<1x160x125xi32, #tpu.memory_space<hbm>> -> memref<160x125xi32, #tpu.memory_space<hbm>>
    %dma_start3A_6 = arith.constant 0 : i32
    %dma_start3A_7 = arith.constant 0 : i32
    %dma_start3A_8 = tpu.memref_slice %arg3[%arg1, %dma_start3A_6, %dma_start3A_7] : memref<16x160x125xi32, #tpu.memory_space<hbm>> -> memref<1x160x125xi32, #tpu.memory_space<hbm>>
    %dma_start3A_9 = tpu.memref_squeeze %dma_start3A_8 : memref<1x160x125xi32, #tpu.memory_space<hbm>> -> memref<160x125xi32, #tpu.memory_space<hbm>>
    tpu.enqueue_dma source(%dma_start3A_9 : memref<160x125xi32, #tpu.memory_space<hbm>>) target(%arg7 : memref<160x125xi32, #tpu.memory_space<vmem>>) target_semaphore(%arg14 : memref<!tpu.dma_semaphore, #tpu.memory_space<semaphore_mem>>)
    %dma_start3A_10 = arith.constant 0 : i32
    %dma_start3A_11 = arith.constant 0 : i32
    %dma_start3A_12 = tpu.memref_slice %arg4[%arg1, %dma_start3A_10, %dma_start3A_11] : memref<16x160x125xi32, #tpu.memory_space<hbm>> -> memref<1x160x125xi32, #tpu.memory_space<hbm>>
    %dma_start3A_13 = tpu.memref_squeeze %dma_start3A_12 : memref<1x160x125xi32, #tpu.memory_space<hbm>> -> memref<160x125xi32, #tpu.memory_space<hbm>>
    %dma_start3A_14 = arith.constant 0 : i32
    %dma_start3A_15 = arith.constant 0 : i32
    %dma_start3A_16 = tpu.memref_slice %arg4[%arg1, %dma_start3A_14, %dma_start3A_15] : memref<16x160x125xi32, #tpu.memory_space<hbm>> -> memref<1x160x125xi32, #tpu.memory_space<hbm>>
    %dma_start3A_17 = tpu.memref_squeeze %dma_start3A_16 : memref<1x160x125xi32, #tpu.memory_space<hbm>> -> memref<160x125xi32, #tpu.memory_space<hbm>>
    tpu.enqueue_dma source(%dma_start3A_17 : memref<160x125xi32, #tpu.memory_space<hbm>>) target(%arg8 : memref<160x125xi32, #tpu.memory_space<vmem>>) target_semaphore(%arg15 : memref<!tpu.dma_semaphore, #tpu.memory_space<semaphore_mem>>)
    %dma_wait3A = arith.constant 0 : i32
    %dma_wait3A_18 = tpu.memref_slice %arg12[%mul3A_0, %dma_wait3A] : memref<10240x64xf32, #tpu.memory_space<vmem_shared>> -> memref<640x64xf32, #tpu.memory_space<vmem_shared>>
    tpu.wait_dma2 semaphore(%arg13 : memref<!tpu.dma_semaphore, #tpu.memory_space<semaphore_mem>>) src(%arg5 : memref<640x64xf32, #tpu.memory_space<hbm>>) dst(%dma_wait3A_18 : memref<640x64xf32, #tpu.memory_space<vmem_shared>>)
    %dma_wait3A_19 = arith.constant 0 : i32
    %dma_wait3A_20 = arith.constant 0 : i32
    %dma_wait3A_21 = tpu.memref_slice %arg3[%arg1, %dma_wait3A_19, %dma_wait3A_20] : memref<16x160x125xi32, #tpu.memory_space<hbm>> -> memref<1x160x125xi32, #tpu.memory_space<hbm>>
    %dma_wait3A_22 = tpu.memref_squeeze %dma_wait3A_21 : memref<1x160x125xi32, #tpu.memory_space<hbm>> -> memref<160x125xi32, #tpu.memory_space<hbm>>
    %dma_wait3A_23 = arith.constant 0 : i32
    %dma_wait3A_24 = arith.constant 0 : i32
    %dma_wait3A_25 = tpu.memref_slice %arg3[%arg1, %dma_wait3A_23, %dma_wait3A_24] : memref<16x160x125xi32, #tpu.memory_space<hbm>> -> memref<1x160x125xi32, #tpu.memory_space<hbm>>
    %dma_wait3A_26 = tpu.memref_squeeze %dma_wait3A_25 : memref<1x160x125xi32, #tpu.memory_space<hbm>> -> memref<160x125xi32, #tpu.memory_space<hbm>>
    tpu.wait_dma2 semaphore(%arg14 : memref<!tpu.dma_semaphore, #tpu.memory_space<semaphore_mem>>) src(%dma_wait3A_26 : memref<160x125xi32, #tpu.memory_space<hbm>>) dst(%arg7 : memref<160x125xi32, #tpu.memory_space<vmem>>)
    %dma_wait3A_27 = arith.constant 0 : i32
    %dma_wait3A_28 = arith.constant 0 : i32
    %dma_wait3A_29 = tpu.memref_slice %arg4[%arg1, %dma_wait3A_27, %dma_wait3A_28] : memref<16x160x125xi32, #tpu.memory_space<hbm>> -> memref<1x160x125xi32, #tpu.memory_space<hbm>>
    %dma_wait3A_30 = tpu.memref_squeeze %dma_wait3A_29 : memref<1x160x125xi32, #tpu.memory_space<hbm>> -> memref<160x125xi32, #tpu.memory_space<hbm>>
    %dma_wait3A_31 = arith.constant 0 : i32
    %dma_wait3A_32 = arith.constant 0 : i32
    %dma_wait3A_33 = tpu.memref_slice %arg4[%arg1, %dma_wait3A_31, %dma_wait3A_32] : memref<16x160x125xi32, #tpu.memory_space<hbm>> -> memref<1x160x125xi32, #tpu.memory_space<hbm>>
    %dma_wait3A_34 = tpu.memref_squeeze %dma_wait3A_33 : memref<1x160x125xi32, #tpu.memory_space<hbm>> -> memref<160x125xi32, #tpu.memory_space<hbm>>
    tpu.wait_dma2 semaphore(%arg15 : memref<!tpu.dma_semaphore, #tpu.memory_space<semaphore_mem>>) src(%dma_wait3A_34 : memref<160x125xi32, #tpu.memory_space<hbm>>) dst(%arg8 : memref<160x125xi32, #tpu.memory_space<vmem>>)
    %barrier3A = arith.constant 0 : index
    tpu.barrier barrier_id(%barrier3A)
    %scan3A = arith.constant 0 : i32
    %scan3A_35 = arith.constant -1 : i32
    %scan3A_36 = arith.constant 55 : i32
    %scan3A_37 = arith.addi %scan3A_35, %scan3A_36 : i32
    %scan3A_38 = arith.constant 1 : i32
    scf.for %scan3A_68 = %scan3A_35 to %scan3A_37 step %scan3A_38  : i32 {
      %mul3A_69 = arith.constant 3 : i32
      %mul3A_70 = arith.muli %mul3A_69, %scan3A_68 : i32
      %add3A = arith.constant 0 : i32
      %add3A_71 = arith.addi %mul3A_70, %add3A : i32
      %add3A_72 = arith.constant 2 : i32
      %add3A_73 = arith.addi %add3A_71, %add3A_72 : i32
      %lt3A = arith.constant 160 : i32
      %lt3A_74 = arith.cmpi slt, %add3A_73, %lt3A : i32
      %ge3A = arith.constant 1 : i32
      %ge3A_75 = arith.cmpi sge, %add3A_71, %ge3A : i32
      %and3A = arith.andi %lt3A_74, %ge3A_75 : i1
      %convert_element_type3A = arith.extui %and3A : i1 to i32
      %cond3A = arith.constant 0 : i32
      %cond3A_76 = arith.cmpi ne, %convert_element_type3A, %cond3A : i32
      scf.if %cond3A_76 {
        %dma_wait3A_165 = arith.constant 0 : i32
        %dma_wait3A_166 = arith.constant 0 : i32
        %dma_wait3A_167 = tpu.memref_slice %arg8[%dma_wait3A_165, %dma_wait3A_166] : memref<160x125xi32, #tpu.memory_space<vmem>> -> memref<1x125xi32, #tpu.memory_space<vmem>>
        %dma_wait3A_168 = tpu.memref_squeeze %dma_wait3A_167 : memref<1x125xi32, #tpu.memory_space<vmem>> -> memref<125xi32, #tpu.memory_space<vmem>>
        %dma_wait3A_169 = arith.constant 0 : i32
        %dma_wait3A_170 = arith.constant 0 : i32
        %dma_wait3A_171 = tpu.memref_slice %arg12[%dma_wait3A_169, %dma_wait3A_170] : memref<10240x64xf32, #tpu.memory_space<vmem_shared>> -> memref<10240x64xf32, #tpu.memory_space<vmem_shared>>
        tpu.wait_indirect_dma semaphore(%arg18 : memref<!tpu.dma_semaphore, #tpu.memory_space<semaphore_mem>>) src(%arg11 : memref<125x64xf32, #tpu.memory_space<vmem>>) dst(%dma_wait3A_171 : memref<10240x64xf32, #tpu.memory_space<vmem_shared>>)
      } else {
      }
      %add3A_77 = arith.constant 2 : i32
      %add3A_78 = arith.addi %add3A_71, %add3A_77 : i32
      %lt3A_79 = arith.constant 160 : i32
      %lt3A_80 = arith.cmpi slt, %add3A_78, %lt3A_79 : i32
      %add3A_81 = arith.constant 2 : i32
      %add3A_82 = arith.addi %add3A_71, %add3A_81 : i32
      %ge3A_83 = arith.constant 0 : i32
      %ge3A_84 = arith.cmpi sge, %add3A_82, %ge3A_83 : i32
      %and3A_85 = arith.andi %lt3A_80, %ge3A_84 : i1
      %convert_element_type3A_86 = arith.extui %and3A_85 : i1 to i32
      %cond3A_87 = arith.constant 0 : i32
      %cond3A_88 = arith.cmpi ne, %convert_element_type3A_86, %cond3A_87 : i32
      scf.if %cond3A_88 {
        %add3A_165 = arith.constant 2 : i32
        %add3A_166 = arith.addi %add3A_71, %add3A_165 : i32
        %dma_start3A_167 = arith.constant 0 : i32
        %dma_start3A_168 = tpu.memref_slice %arg7[%add3A_166, %dma_start3A_167] : memref<160x125xi32, #tpu.memory_space<vmem>> -> memref<1x125xi32, #tpu.memory_space<vmem>>
        %dma_start3A_169 = tpu.memref_squeeze %dma_start3A_168 : memref<1x125xi32, #tpu.memory_space<vmem>> -> memref<125xi32, #tpu.memory_space<vmem>>
        %dma_start3A_170 = arith.constant 0 : i32
        %dma_start3A_171 = tpu.memref_slice %arg2[%arg0, %dma_start3A_170] : memref<20000x64xf32, #tpu.memory_space<hbm>> -> memref<19999x64xf32, #tpu.memory_space<hbm>>
        %dma_start3A_172 = arith.constant 0 : i32
        %dma_start3A_173 = arith.constant 0 : i32
        %dma_start3A_174 = tpu.memref_slice %dma_start3A_171[%dma_start3A_172, %dma_start3A_173] : memref<19999x64xf32, #tpu.memory_space<hbm>> -> memref<19999x64xf32, #tpu.memory_space<hbm>>
        tpu.enqueue_indirect_dma source(%dma_start3A_174 : memref<19999x64xf32, #tpu.memory_space<hbm>>) target(%arg11 : memref<125x64xf32, #tpu.memory_space<vmem>>) offsets(%dma_start3A_169 : memref<125xi32, #tpu.memory_space<vmem>>) semaphore(%arg15 : memref<!tpu.dma_semaphore, #tpu.memory_space<semaphore_mem>>)
      } else {
      }
      %ge3A_89 = arith.constant 0 : i32
      %ge3A_90 = arith.cmpi sge, %add3A_71, %ge3A_89 : i32
      %lt3A_91 = arith.constant 160 : i32
      %lt3A_92 = arith.cmpi slt, %add3A_71, %lt3A_91 : i32
      %and3A_93 = arith.andi %ge3A_90, %lt3A_92 : i1
      %convert_element_type3A_94 = arith.extui %and3A_93 : i1 to i32
      %cond3A_95 = arith.constant 0 : i32
      %cond3A_96 = arith.cmpi ne, %convert_element_type3A_94, %cond3A_95 : i32
      scf.if %cond3A_96 {
        %dma_wait3A_165 = arith.constant 0 : i32
        %dma_wait3A_166 = arith.constant 0 : i32
        %dma_wait3A_167 = tpu.memref_slice %arg7[%dma_wait3A_165, %dma_wait3A_166] : memref<160x125xi32, #tpu.memory_space<vmem>> -> memref<1x125xi32, #tpu.memory_space<vmem>>
        %dma_wait3A_168 = tpu.memref_squeeze %dma_wait3A_167 : memref<1x125xi32, #tpu.memory_space<vmem>> -> memref<125xi32, #tpu.memory_space<vmem>>
        %dma_wait3A_169 = arith.constant 0 : i32
        %dma_wait3A_170 = tpu.memref_slice %arg2[%arg0, %dma_wait3A_169] : memref<20000x64xf32, #tpu.memory_space<hbm>> -> memref<19999x64xf32, #tpu.memory_space<hbm>>
        %dma_wait3A_171 = arith.constant 0 : i32
        %dma_wait3A_172 = arith.constant 0 : i32
        %dma_wait3A_173 = tpu.memref_slice %dma_wait3A_170[%dma_wait3A_171, %dma_wait3A_172] : memref<19999x64xf32, #tpu.memory_space<hbm>> -> memref<19999x64xf32, #tpu.memory_space<hbm>>
        tpu.wait_indirect_dma semaphore(%arg13 : memref<!tpu.dma_semaphore, #tpu.memory_space<semaphore_mem>>) src(%dma_wait3A_173 : memref<19999x64xf32, #tpu.memory_space<hbm>>) dst(%arg9 : memref<125x64xf32, #tpu.memory_space<vmem>>)
        %dma_start3A_174 = arith.constant 0 : i32
        %dma_start3A_175 = tpu.memref_slice %arg8[%add3A_71, %dma_start3A_174] : memref<160x125xi32, #tpu.memory_space<vmem>> -> memref<1x125xi32, #tpu.memory_space<vmem>>
        %dma_start3A_176 = tpu.memref_squeeze %dma_start3A_175 : memref<1x125xi32, #tpu.memory_space<vmem>> -> memref<125xi32, #tpu.memory_space<vmem>>
        %dma_start3A_177 = arith.constant 0 : i32
        %dma_start3A_178 = arith.constant 0 : i32
        %dma_start3A_179 = tpu.memref_slice %arg12[%dma_start3A_177, %dma_start3A_178] : memref<10240x64xf32, #tpu.memory_space<vmem_shared>> -> memref<10240x64xf32, #tpu.memory_space<vmem_shared>>
        tpu.enqueue_indirect_dma source(%arg9 : memref<125x64xf32, #tpu.memory_space<vmem>>) target(%dma_start3A_179 : memref<10240x64xf32, #tpu.memory_space<vmem_shared>>) offsets(%dma_start3A_176 : memref<125xi32, #tpu.memory_space<vmem>>) semaphore(%arg16 : memref<!tpu.dma_semaphore, #tpu.memory_space<semaphore_mem>>) {add = true}
      } else {
      }
      %mul3A_97 = arith.constant 3 : i32
      %mul3A_98 = arith.muli %mul3A_97, %scan3A_68 : i32
      %add3A_99 = arith.constant 1 : i32
      %add3A_100 = arith.addi %mul3A_98, %add3A_99 : i32
      %add3A_101 = arith.constant 2 : i32
      %add3A_102 = arith.addi %add3A_100, %add3A_101 : i32
      %lt3A_103 = arith.constant 160 : i32
      %lt3A_104 = arith.cmpi slt, %add3A_102, %lt3A_103 : i32
      %ge3A_105 = arith.constant 1 : i32
      %ge3A_106 = arith.cmpi sge, %add3A_100, %ge3A_105 : i32
      %and3A_107 = arith.andi %lt3A_104, %ge3A_106 : i1
      %convert_element_type3A_108 = arith.extui %and3A_107 : i1 to i32
      %cond3A_109 = arith.constant 0 : i32
      %cond3A_110 = arith.cmpi ne, %convert_element_type3A_108, %cond3A_109 : i32
      scf.if %cond3A_110 {
        %dma_wait3A_165 = arith.constant 0 : i32
        %dma_wait3A_166 = arith.constant 0 : i32
        %dma_wait3A_167 = tpu.memref_slice %arg8[%dma_wait3A_165, %dma_wait3A_166] : memref<160x125xi32, #tpu.memory_space<vmem>> -> memref<1x125xi32, #tpu.memory_space<vmem>>
        %dma_wait3A_168 = tpu.memref_squeeze %dma_wait3A_167 : memref<1x125xi32, #tpu.memory_space<vmem>> -> memref<125xi32, #tpu.memory_space<vmem>>
        %dma_wait3A_169 = arith.constant 0 : i32
        %dma_wait3A_170 = arith.constant 0 : i32
        %dma_wait3A_171 = tpu.memref_slice %arg12[%dma_wait3A_169, %dma_wait3A_170] : memref<10240x64xf32, #tpu.memory_space<vmem_shared>> -> memref<10240x64xf32, #tpu.memory_space<vmem_shared>>
        tpu.wait_indirect_dma semaphore(%arg16 : memref<!tpu.dma_semaphore, #tpu.memory_space<semaphore_mem>>) src(%arg9 : memref<125x64xf32, #tpu.memory_space<vmem>>) dst(%dma_wait3A_171 : memref<10240x64xf32, #tpu.memory_space<vmem_shared>>)
      } else {
      }
      %add3A_111 = arith.constant 2 : i32
      %add3A_112 = arith.addi %add3A_100, %add3A_111 : i32
      %lt3A_113 = arith.constant 160 : i32
      %lt3A_114 = arith.cmpi slt, %add3A_112, %lt3A_113 : i32
      %add3A_115 = arith.constant 2 : i32
      %add3A_116 = arith.addi %add3A_100, %add3A_115 : i32
      %ge3A_117 = arith.constant 0 : i32
      %ge3A_118 = arith.cmpi sge, %add3A_116, %ge3A_117 : i32
      %and3A_119 = arith.andi %lt3A_114, %ge3A_118 : i1
      %convert_element_type3A_120 = arith.extui %and3A_119 : i1 to i32
      %cond3A_121 = arith.constant 0 : i32
      %cond3A_122 = arith.cmpi ne, %convert_element_type3A_120, %cond3A_121 : i32
      scf.if %cond3A_122 {
        %add3A_165 = arith.constant 2 : i32
        %add3A_166 = arith.addi %add3A_100, %add3A_165 : i32
        %dma_start3A_167 = arith.constant 0 : i32
        %dma_start3A_168 = tpu.memref_slice %arg7[%add3A_166, %dma_start3A_167] : memref<160x125xi32, #tpu.memory_space<vmem>> -> memref<1x125xi32, #tpu.memory_space<vmem>>
        %dma_start3A_169 = tpu.memref_squeeze %dma_start3A_168 : memref<1x125xi32, #tpu.memory_space<vmem>> -> memref<125xi32, #tpu.memory_space<vmem>>
        %dma_start3A_170 = arith.constant 0 : i32
        %dma_start3A_171 = tpu.memref_slice %arg2[%arg0, %dma_start3A_170] : memref<20000x64xf32, #tpu.memory_space<hbm>> -> memref<19999x64xf32, #tpu.memory_space<hbm>>
        %dma_start3A_172 = arith.constant 0 : i32
        %dma_start3A_173 = arith.constant 0 : i32
        %dma_start3A_174 = tpu.memref_slice %dma_start3A_171[%dma_start3A_172, %dma_start3A_173] : memref<19999x64xf32, #tpu.memory_space<hbm>> -> memref<19999x64xf32, #tpu.memory_space<hbm>>
        tpu.enqueue_indirect_dma source(%dma_start3A_174 : memref<19999x64xf32, #tpu.memory_space<hbm>>) target(%arg9 : memref<125x64xf32, #tpu.memory_space<vmem>>) offsets(%dma_start3A_169 : memref<125xi32, #tpu.memory_space<vmem>>) semaphore(%arg13 : memref<!tpu.dma_semaphore, #tpu.memory_space<semaphore_mem>>)
      } else {
      }
      %ge3A_123 = arith.constant 0 : i32
      %ge3A_124 = arith.cmpi sge, %add3A_100, %ge3A_123 : i32
      %lt3A_125 = arith.constant 160 : i32
      %lt3A_126 = arith.cmpi slt, %add3A_100, %lt3A_125 : i32
      %and3A_127 = arith.andi %ge3A_124, %lt3A_126 : i1
      %convert_element_type3A_128 = arith.extui %and3A_127 : i1 to i32
      %cond3A_129 = arith.constant 0 : i32
      %cond3A_130 = arith.cmpi ne, %convert_element_type3A_128, %cond3A_129 : i32
      scf.if %cond3A_130 {
        %dma_wait3A_165 = arith.constant 0 : i32
        %dma_wait3A_166 = arith.constant 0 : i32
        %dma_wait3A_167 = tpu.memref_slice %arg7[%dma_wait3A_165, %dma_wait3A_166] : memref<160x125xi32, #tpu.memory_space<vmem>> -> memref<1x125xi32, #tpu.memory_space<vmem>>
        %dma_wait3A_168 = tpu.memref_squeeze %dma_wait3A_167 : memref<1x125xi32, #tpu.memory_space<vmem>> -> memref<125xi32, #tpu.memory_space<vmem>>
        %dma_wait3A_169 = arith.constant 0 : i32
        %dma_wait3A_170 = tpu.memref_slice %arg2[%arg0, %dma_wait3A_169] : memref<20000x64xf32, #tpu.memory_space<hbm>> -> memref<19999x64xf32, #tpu.memory_space<hbm>>
        %dma_wait3A_171 = arith.constant 0 : i32
        %dma_wait3A_172 = arith.constant 0 : i32
        %dma_wait3A_173 = tpu.memref_slice %dma_wait3A_170[%dma_wait3A_171, %dma_wait3A_172] : memref<19999x64xf32, #tpu.memory_space<hbm>> -> memref<19999x64xf32, #tpu.memory_space<hbm>>
        tpu.wait_indirect_dma semaphore(%arg14 : memref<!tpu.dma_semaphore, #tpu.memory_space<semaphore_mem>>) src(%dma_wait3A_173 : memref<19999x64xf32, #tpu.memory_space<hbm>>) dst(%arg10 : memref<125x64xf32, #tpu.memory_space<vmem>>)
        %dma_start3A_174 = arith.constant 0 : i32
        %dma_start3A_175 = tpu.memref_slice %arg8[%add3A_100, %dma_start3A_174] : memref<160x125xi32, #tpu.memory_space<vmem>> -> memref<1x125xi32, #tpu.memory_space<vmem>>
        %dma_start3A_176 = tpu.memref_squeeze %dma_start3A_175 : memref<1x125xi32, #tpu.memory_space<vmem>> -> memref<125xi32, #tpu.memory_space<vmem>>
        %dma_start3A_177 = arith.constant 0 : i32
        %dma_start3A_178 = arith.constant 0 : i32
        %dma_start3A_179 = tpu.memref_slice %arg12[%dma_start3A_177, %dma_start3A_178] : memref<10240x64xf32, #tpu.memory_space<vmem_shared>> -> memref<10240x64xf32, #tpu.memory_space<vmem_shared>>
        tpu.enqueue_indirect_dma source(%arg10 : memref<125x64xf32, #tpu.memory_space<vmem>>) target(%dma_start3A_179 : memref<10240x64xf32, #tpu.memory_space<vmem_shared>>) offsets(%dma_start3A_176 : memref<125xi32, #tpu.memory_space<vmem>>) semaphore(%arg17 : memref<!tpu.dma_semaphore, #tpu.memory_space<semaphore_mem>>) {add = true}
      } else {
      }
      %mul3A_131 = arith.constant 3 : i32
      %mul3A_132 = arith.muli %mul3A_131, %scan3A_68 : i32
      %add3A_133 = arith.constant 2 : i32
      %add3A_134 = arith.addi %mul3A_132, %add3A_133 : i32
      %add3A_135 = arith.constant 2 : i32
      %add3A_136 = arith.addi %add3A_134, %add3A_135 : i32
      %lt3A_137 = arith.constant 160 : i32
      %lt3A_138 = arith.cmpi slt, %add3A_136, %lt3A_137 : i32
      %ge3A_139 = arith.constant 1 : i32
      %ge3A_140 = arith.cmpi sge, %add3A_134, %ge3A_139 : i32
      %and3A_141 = arith.andi %lt3A_138, %ge3A_140 : i1
      %convert_element_type3A_142 = arith.extui %and3A_141 : i1 to i32
      %cond3A_143 = arith.constant 0 : i32
      %cond3A_144 = arith.cmpi ne, %convert_element_type3A_142, %cond3A_143 : i32
      scf.if %cond3A_144 {
        %dma_wait3A_165 = arith.constant 0 : i32
        %dma_wait3A_166 = arith.constant 0 : i32
        %dma_wait3A_167 = tpu.memref_slice %arg8[%dma_wait3A_165, %dma_wait3A_166] : memref<160x125xi32, #tpu.memory_space<vmem>> -> memref<1x125xi32, #tpu.memory_space<vmem>>
        %dma_wait3A_168 = tpu.memref_squeeze %dma_wait3A_167 : memref<1x125xi32, #tpu.memory_space<vmem>> -> memref<125xi32, #tpu.memory_space<vmem>>
        %dma_wait3A_169 = arith.constant 0 : i32
        %dma_wait3A_170 = arith.constant 0 : i32
        %dma_wait3A_171 = tpu.memref_slice %arg12[%dma_wait3A_169, %dma_wait3A_170] : memref<10240x64xf32, #tpu.memory_space<vmem_shared>> -> memref<10240x64xf32, #tpu.memory_space<vmem_shared>>
        tpu.wait_indirect_dma semaphore(%arg17 : memref<!tpu.dma_semaphore, #tpu.memory_space<semaphore_mem>>) src(%arg10 : memref<125x64xf32, #tpu.memory_space<vmem>>) dst(%dma_wait3A_171 : memref<10240x64xf32, #tpu.memory_space<vmem_shared>>)
      } else {
      }
      %add3A_145 = arith.constant 2 : i32
      %add3A_146 = arith.addi %add3A_134, %add3A_145 : i32
      %lt3A_147 = arith.constant 160 : i32
      %lt3A_148 = arith.cmpi slt, %add3A_146, %lt3A_147 : i32
      %add3A_149 = arith.constant 2 : i32
      %add3A_150 = arith.addi %add3A_134, %add3A_149 : i32
      %ge3A_151 = arith.constant 0 : i32
      %ge3A_152 = arith.cmpi sge, %add3A_150, %ge3A_151 : i32
      %and3A_153 = arith.andi %lt3A_148, %ge3A_152 : i1
      %convert_element_type3A_154 = arith.extui %and3A_153 : i1 to i32
      %cond3A_155 = arith.constant 0 : i32
      %cond3A_156 = arith.cmpi ne, %convert_element_type3A_154, %cond3A_155 : i32
      scf.if %cond3A_156 {
        %add3A_165 = arith.constant 2 : i32
        %add3A_166 = arith.addi %add3A_134, %add3A_165 : i32
        %dma_start3A_167 = arith.constant 0 : i32
        %dma_start3A_168 = tpu.memref_slice %arg7[%add3A_166, %dma_start3A_167] : memref<160x125xi32, #tpu.memory_space<vmem>> -> memref<1x125xi32, #tpu.memory_space<vmem>>
        %dma_start3A_169 = tpu.memref_squeeze %dma_start3A_168 : memref<1x125xi32, #tpu.memory_space<vmem>> -> memref<125xi32, #tpu.memory_space<vmem>>
        %dma_start3A_170 = arith.constant 0 : i32
        %dma_start3A_171 = tpu.memref_slice %arg2[%arg0, %dma_start3A_170] : memref<20000x64xf32, #tpu.memory_space<hbm>> -> memref<19999x64xf32, #tpu.memory_space<hbm>>
        %dma_start3A_172 = arith.constant 0 : i32
        %dma_start3A_173 = arith.constant 0 : i32
        %dma_start3A_174 = tpu.memref_slice %dma_start3A_171[%dma_start3A_172, %dma_start3A_173] : memref<19999x64xf32, #tpu.memory_space<hbm>> -> memref<19999x64xf32, #tpu.memory_space<hbm>>
        tpu.enqueue_indirect_dma source(%dma_start3A_174 : memref<19999x64xf32, #tpu.memory_space<hbm>>) target(%arg10 : memref<125x64xf32, #tpu.memory_space<vmem>>) offsets(%dma_start3A_169 : memref<125xi32, #tpu.memory_space<vmem>>) semaphore(%arg14 : memref<!tpu.dma_semaphore, #tpu.memory_space<semaphore_mem>>)
      } else {
      }
      %ge3A_157 = arith.constant 0 : i32
      %ge3A_158 = arith.cmpi sge, %add3A_134, %ge3A_157 : i32
      %lt3A_159 = arith.constant 160 : i32
      %lt3A_160 = arith.cmpi slt, %add3A_134, %lt3A_159 : i32
      %and3A_161 = arith.andi %ge3A_158, %lt3A_160 : i1
      %convert_element_type3A_162 = arith.extui %and3A_161 : i1 to i32
      %cond3A_163 = arith.constant 0 : i32
      %cond3A_164 = arith.cmpi ne, %convert_element_type3A_162, %cond3A_163 : i32
      scf.if %cond3A_164 {
        %dma_wait3A_165 = arith.constant 0 : i32
        %dma_wait3A_166 = arith.constant 0 : i32
        %dma_wait3A_167 = tpu.memref_slice %arg7[%dma_wait3A_165, %dma_wait3A_166] : memref<160x125xi32, #tpu.memory_space<vmem>> -> memref<1x125xi32, #tpu.memory_space<vmem>>
        %dma_wait3A_168 = tpu.memref_squeeze %dma_wait3A_167 : memref<1x125xi32, #tpu.memory_space<vmem>> -> memref<125xi32, #tpu.memory_space<vmem>>
        %dma_wait3A_169 = arith.constant 0 : i32
        %dma_wait3A_170 = tpu.memref_slice %arg2[%arg0, %dma_wait3A_169] : memref<20000x64xf32, #tpu.memory_space<hbm>> -> memref<19999x64xf32, #tpu.memory_space<hbm>>
        %dma_wait3A_171 = arith.constant 0 : i32
        %dma_wait3A_172 = arith.constant 0 : i32
        %dma_wait3A_173 = tpu.memref_slice %dma_wait3A_170[%dma_wait3A_171, %dma_wait3A_172] : memref<19999x64xf32, #tpu.memory_space<hbm>> -> memref<19999x64xf32, #tpu.memory_space<hbm>>
        tpu.wait_indirect_dma semaphore(%arg15 : memref<!tpu.dma_semaphore, #tpu.memory_space<semaphore_mem>>) src(%dma_wait3A_173 : memref<19999x64xf32, #tpu.memory_space<hbm>>) dst(%arg11 : memref<125x64xf32, #tpu.memory_space<vmem>>)
        %dma_start3A_174 = arith.constant 0 : i32
        %dma_start3A_175 = tpu.memref_slice %arg8[%add3A_134, %dma_start3A_174] : memref<160x125xi32, #tpu.memory_space<vmem>> -> memref<1x125xi32, #tpu.memory_space<vmem>>
        %dma_start3A_176 = tpu.memref_squeeze %dma_start3A_175 : memref<1x125xi32, #tpu.memory_space<vmem>> -> memref<125xi32, #tpu.memory_space<vmem>>
        %dma_start3A_177 = arith.constant 0 : i32
        %dma_start3A_178 = arith.constant 0 : i32
        %dma_start3A_179 = tpu.memref_slice %arg12[%dma_start3A_177, %dma_start3A_178] : memref<10240x64xf32, #tpu.memory_space<vmem_shared>> -> memref<10240x64xf32, #tpu.memory_space<vmem_shared>>
        tpu.enqueue_indirect_dma source(%arg11 : memref<125x64xf32, #tpu.memory_space<vmem>>) target(%dma_start3A_179 : memref<10240x64xf32, #tpu.memory_space<vmem_shared>>) offsets(%dma_start3A_176 : memref<125xi32, #tpu.memory_space<vmem>>) semaphore(%arg18 : memref<!tpu.dma_semaphore, #tpu.memory_space<semaphore_mem>>) {add = true}
      } else {
      }
    }
    %scan3A_39 = arith.constant 55 : i32
    %dma_wait3A_40 = arith.constant 0 : i32
    %dma_wait3A_41 = arith.constant 0 : i32
    %dma_wait3A_42 = tpu.memref_slice %arg8[%dma_wait3A_40, %dma_wait3A_41] : memref<160x125xi32, #tpu.memory_space<vmem>> -> memref<1x125xi32, #tpu.memory_space<vmem>>
    %dma_wait3A_43 = tpu.memref_squeeze %dma_wait3A_42 : memref<1x125xi32, #tpu.memory_space<vmem>> -> memref<125xi32, #tpu.memory_space<vmem>>
    %dma_wait3A_44 = arith.constant 0 : i32
    %dma_wait3A_45 = arith.constant 0 : i32
    %dma_wait3A_46 = tpu.memref_slice %arg12[%dma_wait3A_44, %dma_wait3A_45] : memref<10240x64xf32, #tpu.memory_space<vmem_shared>> -> memref<10240x64xf32, #tpu.memory_space<vmem_shared>>
    tpu.wait_indirect_dma semaphore(%arg16 : memref<!tpu.dma_semaphore, #tpu.memory_space<semaphore_mem>>) src(%arg9 : memref<125x64xf32, #tpu.memory_space<vmem>>) dst(%dma_wait3A_46 : memref<10240x64xf32, #tpu.memory_space<vmem_shared>>)
    %dma_wait3A_47 = arith.constant 0 : i32
    %dma_wait3A_48 = arith.constant 0 : i32
    %dma_wait3A_49 = tpu.memref_slice %arg8[%dma_wait3A_47, %dma_wait3A_48] : memref<160x125xi32, #tpu.memory_space<vmem>> -> memref<1x125xi32, #tpu.memory_space<vmem>>
    %dma_wait3A_50 = tpu.memref_squeeze %dma_wait3A_49 : memref<1x125xi32, #tpu.memory_space<vmem>> -> memref<125xi32, #tpu.memory_space<vmem>>
    %dma_wait3A_51 = arith.constant 0 : i32
    %dma_wait3A_52 = arith.constant 0 : i32
    %dma_wait3A_53 = tpu.memref_slice %arg12[%dma_wait3A_51, %dma_wait3A_52] : memref<10240x64xf32, #tpu.memory_space<vmem_shared>> -> memref<10240x64xf32, #tpu.memory_space<vmem_shared>>
    tpu.wait_indirect_dma semaphore(%arg17 : memref<!tpu.dma_semaphore, #tpu.memory_space<semaphore_mem>>) src(%arg10 : memref<125x64xf32, #tpu.memory_space<vmem>>) dst(%dma_wait3A_53 : memref<10240x64xf32, #tpu.memory_space<vmem_shared>>)
    %dma_wait3A_54 = arith.constant 0 : i32
    %dma_wait3A_55 = arith.constant 0 : i32
    %dma_wait3A_56 = tpu.memref_slice %arg8[%dma_wait3A_54, %dma_wait3A_55] : memref<160x125xi32, #tpu.memory_space<vmem>> -> memref<1x125xi32, #tpu.memory_space<vmem>>
    %dma_wait3A_57 = tpu.memref_squeeze %dma_wait3A_56 : memref<1x125xi32, #tpu.memory_space<vmem>> -> memref<125xi32, #tpu.memory_space<vmem>>
    %dma_wait3A_58 = arith.constant 0 : i32
    %dma_wait3A_59 = arith.constant 0 : i32
    %dma_wait3A_60 = tpu.memref_slice %arg12[%dma_wait3A_58, %dma_wait3A_59] : memref<10240x64xf32, #tpu.memory_space<vmem_shared>> -> memref<10240x64xf32, #tpu.memory_space<vmem_shared>>
    tpu.wait_indirect_dma semaphore(%arg18 : memref<!tpu.dma_semaphore, #tpu.memory_space<semaphore_mem>>) src(%arg11 : memref<125x64xf32, #tpu.memory_space<vmem>>) dst(%dma_wait3A_60 : memref<10240x64xf32, #tpu.memory_space<vmem_shared>>)
    %barrier3A_61 = arith.constant 0 : index
    tpu.barrier barrier_id(%barrier3A_61)
    %mul3A_62 = arith.constant 640 : i32
    %mul3A_63 = arith.muli %arg1, %mul3A_62 : i32
    %mul3A_64 = arith.constant 640 : i32
    %mul3A_65 = arith.muli %arg1, %mul3A_64 : i32
    %mul3A_66 = arith.constant 64 : i32
    %mul3A_67 = arith.muli %arg0, %mul3A_66 : i32
    "tpu.region"() ({
      %run_scoped3A = tpu.sem_alloc : memref<!tpu.dma_semaphore, #tpu.memory_space<semaphore_mem>>
      %dma_start3A_68 = tpu.memref_slice %arg6[%mul3A_65, %mul3A_67] : memref<10240x128xf32, #tpu.memory_space<hbm>> -> memref<640x64xf32, #tpu.memory_space<hbm>>
      %dma_start3A_69 = arith.constant 0 : i32
      %dma_start3A_70 = tpu.memref_slice %arg12[%mul3A_63, %dma_start3A_69] : memref<10240x64xf32, #tpu.memory_space<vmem_shared>> -> memref<640x64xf32, #tpu.memory_space<vmem_shared>>
      tpu.enqueue_dma source(%dma_start3A_70 : memref<640x64xf32, #tpu.memory_space<vmem_shared>>) target(%dma_start3A_68 : memref<640x64xf32, #tpu.memory_space<hbm>>) target_semaphore(%run_scoped3A : memref<!tpu.dma_semaphore, #tpu.memory_space<semaphore_mem>>)
      %dma_wait3A_71 = tpu.memref_slice %arg6[%mul3A_65, %mul3A_67] : memref<10240x128xf32, #tpu.memory_space<hbm>> -> memref<640x64xf32, #tpu.memory_space<hbm>>
      %dma_wait3A_72 = arith.constant 0 : i32
      %dma_wait3A_73 = tpu.memref_slice %arg12[%mul3A_63, %dma_wait3A_72] : memref<10240x64xf32, #tpu.memory_space<vmem_shared>> -> memref<640x64xf32, #tpu.memory_space<vmem_shared>>
      tpu.wait_dma2 semaphore(%run_scoped3A : memref<!tpu.dma_semaphore, #tpu.memory_space<semaphore_mem>>) src(%dma_wait3A_73 : memref<640x64xf32, #tpu.memory_space<vmem_shared>>) dst(%dma_wait3A_71 : memref<640x64xf32, #tpu.memory_space<hbm>>)
      tpu.yield
    }) : () -> ()
    return
  }
}

#map = affine_map<(d0, d1) -> (0, 0)>
#map1 = affine_map<(d0, d1) -> (0, 0, 0)>
module attributes {stable_mosaic.version = 14 : i64} {
  func.func @agg(%arg0: i32, %arg1: i32, %arg2: memref<20000x64xf32, #tpu.memory_space<hbm>>, %arg3: memref<16x160x125xi32, #tpu.memory_space<hbm>>, %arg4: memref<16x160x125xi32, #tpu.memory_space<hbm>>, %arg5: memref<640x64xf32, #tpu.memory_space<hbm>>, %arg6: memref<10240x128xf32, #tpu.memory_space<hbm>>, %arg7: memref<160x125xi32, #tpu.memory_space<vmem>>, %arg8: memref<160x125xi32, #tpu.memory_space<vmem>>, %arg9: memref<125x64xf32, #tpu.memory_space<vmem>>, %arg10: memref<125x64xf32, #tpu.memory_space<vmem>>, %arg11: memref<125x64xf32, #tpu.memory_space<vmem>>, %arg12: memref<10240x64xf32, #tpu.memory_space<vmem_shared>>, %arg13: memref<!tpu.dma_semaphore, #tpu.memory_space<semaphore_mem>>, %arg14: memref<!tpu.dma_semaphore, #tpu.memory_space<semaphore_mem>>, %arg15: memref<!tpu.dma_semaphore, #tpu.memory_space<semaphore_mem>>, %arg16: memref<!tpu.dma_semaphore, #tpu.memory_space<semaphore_mem>>, %arg17: memref<!tpu.dma_semaphore, #tpu.memory_space<semaphore_mem>>, %arg18: memref<!tpu.dma_semaphore, #tpu.memory_space<semaphore_mem>>) attributes {dimension_semantics = [#tpu.dimension_semantics<core_parallel>, #tpu.dimension_semantics<subcore_parallel>], iteration_bounds = array<i64: 2, 16>, scalar_prefetch = 0 : i64, scratch_operands = 12 : i64, tpu.core_type = #tpu.core_type<sc_vector_subcore>, window_params = [{transform_indices = #map}, {transform_indices = #map1}, {transform_indices = #map1}, {transform_indices = #map}, {transform_indices = #map}]} {
    %mul3A = arith.constant 640 : i32
    %mul3A_0 = arith.muli %arg1, %mul3A : i32
    %dma_start3A = arith.constant 0 : i32
    %dma_start3A_1 = tpu.memref_slice %arg12[%mul3A_0, %dma_start3A] : memref<10240x64xf32, #tpu.memory_space<vmem_shared>> -> memref<640x64xf32, #tpu.memory_space<vmem_shared>>
    tpu.enqueue_dma source(%arg5 : memref<640x64xf32, #tpu.memory_space<hbm>>) target(%dma_start3A_1 : memref<640x64xf32, #tpu.memory_space<vmem_shared>>) target_semaphore(%arg13 : memref<!tpu.dma_semaphore, #tpu.memory_space<semaphore_mem>>)
    %dma_start3A_2 = arith.constant 0 : i32
    %dma_start3A_3 = arith.constant 0 : i32
    %dma_start3A_4 = tpu.memref_slice %arg3[%arg1, %dma_start3A_2, %dma_start3A_3] : memref<16x160x125xi32, #tpu.memory_space<hbm>> -> memref<1x160x125xi32, #tpu.memory_space<hbm>>
    %dma_start3A_5 = tpu.memref_squeeze %dma_start3A_4 : memref<1x160x125xi32, #tpu.memory_space<hbm>> -> memref<160x125xi32, #tpu.memory_space<hbm>>
    %dma_start3A_6 = arith.constant 0 : i32
    %dma_start3A_7 = arith.constant 0 : i32
    %dma_start3A_8 = tpu.memref_slice %arg3[%arg1, %dma_start3A_6, %dma_start3A_7] : memref<16x160x125xi32, #tpu.memory_space<hbm>> -> memref<1x160x125xi32, #tpu.memory_space<hbm>>
    %dma_start3A_9 = tpu.memref_squeeze %dma_start3A_8 : memref<1x160x125xi32, #tpu.memory_space<hbm>> -> memref<160x125xi32, #tpu.memory_space<hbm>>
    tpu.enqueue_dma source(%dma_start3A_9 : memref<160x125xi32, #tpu.memory_space<hbm>>) target(%arg7 : memref<160x125xi32, #tpu.memory_space<vmem>>) target_semaphore(%arg14 : memref<!tpu.dma_semaphore, #tpu.memory_space<semaphore_mem>>)
    %dma_start3A_10 = arith.constant 0 : i32
    %dma_start3A_11 = arith.constant 0 : i32
    %dma_start3A_12 = tpu.memref_slice %arg4[%arg1, %dma_start3A_10, %dma_start3A_11] : memref<16x160x125xi32, #tpu.memory_space<hbm>> -> memref<1x160x125xi32, #tpu.memory_space<hbm>>
    %dma_start3A_13 = tpu.memref_squeeze %dma_start3A_12 : memref<1x160x125xi32, #tpu.memory_space<hbm>> -> memref<160x125xi32, #tpu.memory_space<hbm>>
    %dma_start3A_14 = arith.constant 0 : i32
    %dma_start3A_15 = arith.constant 0 : i32
    %dma_start3A_16 = tpu.memref_slice %arg4[%arg1, %dma_start3A_14, %dma_start3A_15] : memref<16x160x125xi32, #tpu.memory_space<hbm>> -> memref<1x160x125xi32, #tpu.memory_space<hbm>>
    %dma_start3A_17 = tpu.memref_squeeze %dma_start3A_16 : memref<1x160x125xi32, #tpu.memory_space<hbm>> -> memref<160x125xi32, #tpu.memory_space<hbm>>
    tpu.enqueue_dma source(%dma_start3A_17 : memref<160x125xi32, #tpu.memory_space<hbm>>) target(%arg8 : memref<160x125xi32, #tpu.memory_space<vmem>>) target_semaphore(%arg15 : memref<!tpu.dma_semaphore, #tpu.memory_space<semaphore_mem>>)
    %dma_wait3A = arith.constant 0 : i32
    %dma_wait3A_18 = tpu.memref_slice %arg12[%mul3A_0, %dma_wait3A] : memref<10240x64xf32, #tpu.memory_space<vmem_shared>> -> memref<640x64xf32, #tpu.memory_space<vmem_shared>>
    tpu.wait_dma2 semaphore(%arg13 : memref<!tpu.dma_semaphore, #tpu.memory_space<semaphore_mem>>) src(%arg5 : memref<640x64xf32, #tpu.memory_space<hbm>>) dst(%dma_wait3A_18 : memref<640x64xf32, #tpu.memory_space<vmem_shared>>)
    %dma_wait3A_19 = arith.constant 0 : i32
    %dma_wait3A_20 = arith.constant 0 : i32
    %dma_wait3A_21 = tpu.memref_slice %arg3[%arg1, %dma_wait3A_19, %dma_wait3A_20] : memref<16x160x125xi32, #tpu.memory_space<hbm>> -> memref<1x160x125xi32, #tpu.memory_space<hbm>>
    %dma_wait3A_22 = tpu.memref_squeeze %dma_wait3A_21 : memref<1x160x125xi32, #tpu.memory_space<hbm>> -> memref<160x125xi32, #tpu.memory_space<hbm>>
    %dma_wait3A_23 = arith.constant 0 : i32
    %dma_wait3A_24 = arith.constant 0 : i32
    %dma_wait3A_25 = tpu.memref_slice %arg3[%arg1, %dma_wait3A_23, %dma_wait3A_24] : memref<16x160x125xi32, #tpu.memory_space<hbm>> -> memref<1x160x125xi32, #tpu.memory_space<hbm>>
    %dma_wait3A_26 = tpu.memref_squeeze %dma_wait3A_25 : memref<1x160x125xi32, #tpu.memory_space<hbm>> -> memref<160x125xi32, #tpu.memory_space<hbm>>
    tpu.wait_dma2 semaphore(%arg14 : memref<!tpu.dma_semaphore, #tpu.memory_space<semaphore_mem>>) src(%dma_wait3A_26 : memref<160x125xi32, #tpu.memory_space<hbm>>) dst(%arg7 : memref<160x125xi32, #tpu.memory_space<vmem>>)
    %dma_wait3A_27 = arith.constant 0 : i32
    %dma_wait3A_28 = arith.constant 0 : i32
    %dma_wait3A_29 = tpu.memref_slice %arg4[%arg1, %dma_wait3A_27, %dma_wait3A_28] : memref<16x160x125xi32, #tpu.memory_space<hbm>> -> memref<1x160x125xi32, #tpu.memory_space<hbm>>
    %dma_wait3A_30 = tpu.memref_squeeze %dma_wait3A_29 : memref<1x160x125xi32, #tpu.memory_space<hbm>> -> memref<160x125xi32, #tpu.memory_space<hbm>>
    %dma_wait3A_31 = arith.constant 0 : i32
    %dma_wait3A_32 = arith.constant 0 : i32
    %dma_wait3A_33 = tpu.memref_slice %arg4[%arg1, %dma_wait3A_31, %dma_wait3A_32] : memref<16x160x125xi32, #tpu.memory_space<hbm>> -> memref<1x160x125xi32, #tpu.memory_space<hbm>>
    %dma_wait3A_34 = tpu.memref_squeeze %dma_wait3A_33 : memref<1x160x125xi32, #tpu.memory_space<hbm>> -> memref<160x125xi32, #tpu.memory_space<hbm>>
    tpu.wait_dma2 semaphore(%arg15 : memref<!tpu.dma_semaphore, #tpu.memory_space<semaphore_mem>>) src(%dma_wait3A_34 : memref<160x125xi32, #tpu.memory_space<hbm>>) dst(%arg8 : memref<160x125xi32, #tpu.memory_space<vmem>>)
    %barrier3A = arith.constant 0 : index
    tpu.barrier barrier_id(%barrier3A)
    %scan3A = arith.constant 0 : i32
    %scan3A_35 = arith.constant -1 : i32
    %scan3A_36 = arith.constant 55 : i32
    %scan3A_37 = arith.addi %scan3A_35, %scan3A_36 : i32
    %scan3A_38 = arith.constant 1 : i32
    scf.for %scan3A_68 = %scan3A_35 to %scan3A_37 step %scan3A_38  : i32 {
      %mul3A_69 = arith.constant 3 : i32
      %mul3A_70 = arith.muli %mul3A_69, %scan3A_68 : i32
      %add3A = arith.constant 0 : i32
      %add3A_71 = arith.addi %mul3A_70, %add3A : i32
      %add3A_72 = arith.constant 2 : i32
      %add3A_73 = arith.addi %add3A_71, %add3A_72 : i32
      %lt3A = arith.constant 160 : i32
      %lt3A_74 = arith.cmpi slt, %add3A_73, %lt3A : i32
      %ge3A = arith.constant 1 : i32
      %ge3A_75 = arith.cmpi sge, %add3A_71, %ge3A : i32
      %and3A = arith.andi %lt3A_74, %ge3A_75 : i1
      %convert_element_type3A = arith.extui %and3A : i1 to i32
      %cond3A = arith.constant 0 : i32
      %cond3A_76 = arith.cmpi ne, %convert_element_type3A, %cond3A : i32
      scf.if %cond3A_76 {
        %dma_wait3A_165 = arith.constant 0 : i32
        %dma_wait3A_166 = arith.constant 0 : i32
        %dma_wait3A_167 = tpu.memref_slice %arg8[%dma_wait3A_165, %dma_wait3A_166] : memref<160x125xi32, #tpu.memory_space<vmem>> -> memref<1x125xi32, #tpu.memory_space<vmem>>
        %dma_wait3A_168 = tpu.memref_squeeze %dma_wait3A_167 : memref<1x125xi32, #tpu.memory_space<vmem>> -> memref<125xi32, #tpu.memory_space<vmem>>
        %dma_wait3A_169 = arith.constant 0 : i32
        %dma_wait3A_170 = arith.constant 0 : i32
        %dma_wait3A_171 = tpu.memref_slice %arg12[%dma_wait3A_169, %dma_wait3A_170] : memref<10240x64xf32, #tpu.memory_space<vmem_shared>> -> memref<10240x64xf32, #tpu.memory_space<vmem_shared>>
        tpu.wait_indirect_dma semaphore(%arg18 : memref<!tpu.dma_semaphore, #tpu.memory_space<semaphore_mem>>) src(%arg11 : memref<125x64xf32, #tpu.memory_space<vmem>>) dst(%dma_wait3A_171 : memref<10240x64xf32, #tpu.memory_space<vmem_shared>>)
      } else {
      }
      %add3A_77 = arith.constant 2 : i32
      %add3A_78 = arith.addi %add3A_71, %add3A_77 : i32
      %lt3A_79 = arith.constant 160 : i32
      %lt3A_80 = arith.cmpi slt, %add3A_78, %lt3A_79 : i32
      %add3A_81 = arith.constant 2 : i32
      %add3A_82 = arith.addi %add3A_71, %add3A_81 : i32
      %ge3A_83 = arith.constant 0 : i32
      %ge3A_84 = arith.cmpi sge, %add3A_82, %ge3A_83 : i32
      %and3A_85 = arith.andi %lt3A_80, %ge3A_84 : i1
      %convert_element_type3A_86 = arith.extui %and3A_85 : i1 to i32
      %cond3A_87 = arith.constant 0 : i32
      %cond3A_88 = arith.cmpi ne, %convert_element_type3A_86, %cond3A_87 : i32
      scf.if %cond3A_88 {
        %add3A_165 = arith.constant 2 : i32
        %add3A_166 = arith.addi %add3A_71, %add3A_165 : i32
        %dma_start3A_167 = arith.constant 0 : i32
        %dma_start3A_168 = tpu.memref_slice %arg7[%add3A_166, %dma_start3A_167] : memref<160x125xi32, #tpu.memory_space<vmem>> -> memref<1x125xi32, #tpu.memory_space<vmem>>
        %dma_start3A_169 = tpu.memref_squeeze %dma_start3A_168 : memref<1x125xi32, #tpu.memory_space<vmem>> -> memref<125xi32, #tpu.memory_space<vmem>>
        %dma_start3A_170 = arith.constant 0 : i32
        %dma_start3A_171 = tpu.memref_slice %arg2[%arg0, %dma_start3A_170] : memref<20000x64xf32, #tpu.memory_space<hbm>> -> memref<19999x64xf32, #tpu.memory_space<hbm>>
        %dma_start3A_172 = arith.constant 0 : i32
        %dma_start3A_173 = arith.constant 0 : i32
        %dma_start3A_174 = tpu.memref_slice %dma_start3A_171[%dma_start3A_172, %dma_start3A_173] : memref<19999x64xf32, #tpu.memory_space<hbm>> -> memref<19999x64xf32, #tpu.memory_space<hbm>>
        tpu.enqueue_indirect_dma source(%dma_start3A_174 : memref<19999x64xf32, #tpu.memory_space<hbm>>) target(%arg11 : memref<125x64xf32, #tpu.memory_space<vmem>>) offsets(%dma_start3A_169 : memref<125xi32, #tpu.memory_space<vmem>>) semaphore(%arg15 : memref<!tpu.dma_semaphore, #tpu.memory_space<semaphore_mem>>)
      } else {
      }
      %ge3A_89 = arith.constant 0 : i32
      %ge3A_90 = arith.cmpi sge, %add3A_71, %ge3A_89 : i32
      %lt3A_91 = arith.constant 160 : i32
      %lt3A_92 = arith.cmpi slt, %add3A_71, %lt3A_91 : i32
      %and3A_93 = arith.andi %ge3A_90, %lt3A_92 : i1
      %convert_element_type3A_94 = arith.extui %and3A_93 : i1 to i32
      %cond3A_95 = arith.constant 0 : i32
      %cond3A_96 = arith.cmpi ne, %convert_element_type3A_94, %cond3A_95 : i32
      scf.if %cond3A_96 {
        %dma_wait3A_165 = arith.constant 0 : i32
        %dma_wait3A_166 = arith.constant 0 : i32
        %dma_wait3A_167 = tpu.memref_slice %arg7[%dma_wait3A_165, %dma_wait3A_166] : memref<160x125xi32, #tpu.memory_space<vmem>> -> memref<1x125xi32, #tpu.memory_space<vmem>>
        %dma_wait3A_168 = tpu.memref_squeeze %dma_wait3A_167 : memref<1x125xi32, #tpu.memory_space<vmem>> -> memref<125xi32, #tpu.memory_space<vmem>>
        %dma_wait3A_169 = arith.constant 0 : i32
        %dma_wait3A_170 = tpu.memref_slice %arg2[%arg0, %dma_wait3A_169] : memref<20000x64xf32, #tpu.memory_space<hbm>> -> memref<19999x64xf32, #tpu.memory_space<hbm>>
        %dma_wait3A_171 = arith.constant 0 : i32
        %dma_wait3A_172 = arith.constant 0 : i32
        %dma_wait3A_173 = tpu.memref_slice %dma_wait3A_170[%dma_wait3A_171, %dma_wait3A_172] : memref<19999x64xf32, #tpu.memory_space<hbm>> -> memref<19999x64xf32, #tpu.memory_space<hbm>>
        tpu.wait_indirect_dma semaphore(%arg13 : memref<!tpu.dma_semaphore, #tpu.memory_space<semaphore_mem>>) src(%dma_wait3A_173 : memref<19999x64xf32, #tpu.memory_space<hbm>>) dst(%arg9 : memref<125x64xf32, #tpu.memory_space<vmem>>)
        %dma_start3A_174 = arith.constant 0 : i32
        %dma_start3A_175 = tpu.memref_slice %arg8[%add3A_71, %dma_start3A_174] : memref<160x125xi32, #tpu.memory_space<vmem>> -> memref<1x125xi32, #tpu.memory_space<vmem>>
        %dma_start3A_176 = tpu.memref_squeeze %dma_start3A_175 : memref<1x125xi32, #tpu.memory_space<vmem>> -> memref<125xi32, #tpu.memory_space<vmem>>
        %dma_start3A_177 = arith.constant 0 : i32
        %dma_start3A_178 = arith.constant 0 : i32
        %dma_start3A_179 = tpu.memref_slice %arg12[%dma_start3A_177, %dma_start3A_178] : memref<10240x64xf32, #tpu.memory_space<vmem_shared>> -> memref<10240x64xf32, #tpu.memory_space<vmem_shared>>
        tpu.enqueue_indirect_dma source(%arg9 : memref<125x64xf32, #tpu.memory_space<vmem>>) target(%dma_start3A_179 : memref<10240x64xf32, #tpu.memory_space<vmem_shared>>) offsets(%dma_start3A_176 : memref<125xi32, #tpu.memory_space<vmem>>) semaphore(%arg16 : memref<!tpu.dma_semaphore, #tpu.memory_space<semaphore_mem>>) {add = true}
      } else {
      }
      %mul3A_97 = arith.constant 3 : i32
      %mul3A_98 = arith.muli %mul3A_97, %scan3A_68 : i32
      %add3A_99 = arith.constant 1 : i32
      %add3A_100 = arith.addi %mul3A_98, %add3A_99 : i32
      %add3A_101 = arith.constant 2 : i32
      %add3A_102 = arith.addi %add3A_100, %add3A_101 : i32
      %lt3A_103 = arith.constant 160 : i32
      %lt3A_104 = arith.cmpi slt, %add3A_102, %lt3A_103 : i32
      %ge3A_105 = arith.constant 1 : i32
      %ge3A_106 = arith.cmpi sge, %add3A_100, %ge3A_105 : i32
      %and3A_107 = arith.andi %lt3A_104, %ge3A_106 : i1
      %convert_element_type3A_108 = arith.extui %and3A_107 : i1 to i32
      %cond3A_109 = arith.constant 0 : i32
      %cond3A_110 = arith.cmpi ne, %convert_element_type3A_108, %cond3A_109 : i32
      scf.if %cond3A_110 {
        %dma_wait3A_165 = arith.constant 0 : i32
        %dma_wait3A_166 = arith.constant 0 : i32
        %dma_wait3A_167 = tpu.memref_slice %arg8[%dma_wait3A_165, %dma_wait3A_166] : memref<160x125xi32, #tpu.memory_space<vmem>> -> memref<1x125xi32, #tpu.memory_space<vmem>>
        %dma_wait3A_168 = tpu.memref_squeeze %dma_wait3A_167 : memref<1x125xi32, #tpu.memory_space<vmem>> -> memref<125xi32, #tpu.memory_space<vmem>>
        %dma_wait3A_169 = arith.constant 0 : i32
        %dma_wait3A_170 = arith.constant 0 : i32
        %dma_wait3A_171 = tpu.memref_slice %arg12[%dma_wait3A_169, %dma_wait3A_170] : memref<10240x64xf32, #tpu.memory_space<vmem_shared>> -> memref<10240x64xf32, #tpu.memory_space<vmem_shared>>
        tpu.wait_indirect_dma semaphore(%arg16 : memref<!tpu.dma_semaphore, #tpu.memory_space<semaphore_mem>>) src(%arg9 : memref<125x64xf32, #tpu.memory_space<vmem>>) dst(%dma_wait3A_171 : memref<10240x64xf32, #tpu.memory_space<vmem_shared>>)
      } else {
      }
      %add3A_111 = arith.constant 2 : i32
      %add3A_112 = arith.addi %add3A_100, %add3A_111 : i32
      %lt3A_113 = arith.constant 160 : i32
      %lt3A_114 = arith.cmpi slt, %add3A_112, %lt3A_113 : i32
      %add3A_115 = arith.constant 2 : i32
      %add3A_116 = arith.addi %add3A_100, %add3A_115 : i32
      %ge3A_117 = arith.constant 0 : i32
      %ge3A_118 = arith.cmpi sge, %add3A_116, %ge3A_117 : i32
      %and3A_119 = arith.andi %lt3A_114, %ge3A_118 : i1
      %convert_element_type3A_120 = arith.extui %and3A_119 : i1 to i32
      %cond3A_121 = arith.constant 0 : i32
      %cond3A_122 = arith.cmpi ne, %convert_element_type3A_120, %cond3A_121 : i32
      scf.if %cond3A_122 {
        %add3A_165 = arith.constant 2 : i32
        %add3A_166 = arith.addi %add3A_100, %add3A_165 : i32
        %dma_start3A_167 = arith.constant 0 : i32
        %dma_start3A_168 = tpu.memref_slice %arg7[%add3A_166, %dma_start3A_167] : memref<160x125xi32, #tpu.memory_space<vmem>> -> memref<1x125xi32, #tpu.memory_space<vmem>>
        %dma_start3A_169 = tpu.memref_squeeze %dma_start3A_168 : memref<1x125xi32, #tpu.memory_space<vmem>> -> memref<125xi32, #tpu.memory_space<vmem>>
        %dma_start3A_170 = arith.constant 0 : i32
        %dma_start3A_171 = tpu.memref_slice %arg2[%arg0, %dma_start3A_170] : memref<20000x64xf32, #tpu.memory_space<hbm>> -> memref<19999x64xf32, #tpu.memory_space<hbm>>
        %dma_start3A_172 = arith.constant 0 : i32
        %dma_start3A_173 = arith.constant 0 : i32
        %dma_start3A_174 = tpu.memref_slice %dma_start3A_171[%dma_start3A_172, %dma_start3A_173] : memref<19999x64xf32, #tpu.memory_space<hbm>> -> memref<19999x64xf32, #tpu.memory_space<hbm>>
        tpu.enqueue_indirect_dma source(%dma_start3A_174 : memref<19999x64xf32, #tpu.memory_space<hbm>>) target(%arg9 : memref<125x64xf32, #tpu.memory_space<vmem>>) offsets(%dma_start3A_169 : memref<125xi32, #tpu.memory_space<vmem>>) semaphore(%arg13 : memref<!tpu.dma_semaphore, #tpu.memory_space<semaphore_mem>>)
      } else {
      }
      %ge3A_123 = arith.constant 0 : i32
      %ge3A_124 = arith.cmpi sge, %add3A_100, %ge3A_123 : i32
      %lt3A_125 = arith.constant 160 : i32
      %lt3A_126 = arith.cmpi slt, %add3A_100, %lt3A_125 : i32
      %and3A_127 = arith.andi %ge3A_124, %lt3A_126 : i1
      %convert_element_type3A_128 = arith.extui %and3A_127 : i1 to i32
      %cond3A_129 = arith.constant 0 : i32
      %cond3A_130 = arith.cmpi ne, %convert_element_type3A_128, %cond3A_129 : i32
      scf.if %cond3A_130 {
        %dma_wait3A_165 = arith.constant 0 : i32
        %dma_wait3A_166 = arith.constant 0 : i32
        %dma_wait3A_167 = tpu.memref_slice %arg7[%dma_wait3A_165, %dma_wait3A_166] : memref<160x125xi32, #tpu.memory_space<vmem>> -> memref<1x125xi32, #tpu.memory_space<vmem>>
        %dma_wait3A_168 = tpu.memref_squeeze %dma_wait3A_167 : memref<1x125xi32, #tpu.memory_space<vmem>> -> memref<125xi32, #tpu.memory_space<vmem>>
        %dma_wait3A_169 = arith.constant 0 : i32
        %dma_wait3A_170 = tpu.memref_slice %arg2[%arg0, %dma_wait3A_169] : memref<20000x64xf32, #tpu.memory_space<hbm>> -> memref<19999x64xf32, #tpu.memory_space<hbm>>
        %dma_wait3A_171 = arith.constant 0 : i32
        %dma_wait3A_172 = arith.constant 0 : i32
        %dma_wait3A_173 = tpu.memref_slice %dma_wait3A_170[%dma_wait3A_171, %dma_wait3A_172] : memref<19999x64xf32, #tpu.memory_space<hbm>> -> memref<19999x64xf32, #tpu.memory_space<hbm>>
        tpu.wait_indirect_dma semaphore(%arg14 : memref<!tpu.dma_semaphore, #tpu.memory_space<semaphore_mem>>) src(%dma_wait3A_173 : memref<19999x64xf32, #tpu.memory_space<hbm>>) dst(%arg10 : memref<125x64xf32, #tpu.memory_space<vmem>>)
        %dma_start3A_174 = arith.constant 0 : i32
        %dma_start3A_175 = tpu.memref_slice %arg8[%add3A_100, %dma_start3A_174] : memref<160x125xi32, #tpu.memory_space<vmem>> -> memref<1x125xi32, #tpu.memory_space<vmem>>
        %dma_start3A_176 = tpu.memref_squeeze %dma_start3A_175 : memref<1x125xi32, #tpu.memory_space<vmem>> -> memref<125xi32, #tpu.memory_space<vmem>>
        %dma_start3A_177 = arith.constant 0 : i32
        %dma_start3A_178 = arith.constant 0 : i32
        %dma_start3A_179 = tpu.memref_slice %arg12[%dma_start3A_177, %dma_start3A_178] : memref<10240x64xf32, #tpu.memory_space<vmem_shared>> -> memref<10240x64xf32, #tpu.memory_space<vmem_shared>>
        tpu.enqueue_indirect_dma source(%arg10 : memref<125x64xf32, #tpu.memory_space<vmem>>) target(%dma_start3A_179 : memref<10240x64xf32, #tpu.memory_space<vmem_shared>>) offsets(%dma_start3A_176 : memref<125xi32, #tpu.memory_space<vmem>>) semaphore(%arg17 : memref<!tpu.dma_semaphore, #tpu.memory_space<semaphore_mem>>) {add = true}
      } else {
      }
      %mul3A_131 = arith.constant 3 : i32
      %mul3A_132 = arith.muli %mul3A_131, %scan3A_68 : i32
      %add3A_133 = arith.constant 2 : i32
      %add3A_134 = arith.addi %mul3A_132, %add3A_133 : i32
      %add3A_135 = arith.constant 2 : i32
      %add3A_136 = arith.addi %add3A_134, %add3A_135 : i32
      %lt3A_137 = arith.constant 160 : i32
      %lt3A_138 = arith.cmpi slt, %add3A_136, %lt3A_137 : i32
      %ge3A_139 = arith.constant 1 : i32
      %ge3A_140 = arith.cmpi sge, %add3A_134, %ge3A_139 : i32
      %and3A_141 = arith.andi %lt3A_138, %ge3A_140 : i1
      %convert_element_type3A_142 = arith.extui %and3A_141 : i1 to i32
      %cond3A_143 = arith.constant 0 : i32
      %cond3A_144 = arith.cmpi ne, %convert_element_type3A_142, %cond3A_143 : i32
      scf.if %cond3A_144 {
        %dma_wait3A_165 = arith.constant 0 : i32
        %dma_wait3A_166 = arith.constant 0 : i32
        %dma_wait3A_167 = tpu.memref_slice %arg8[%dma_wait3A_165, %dma_wait3A_166] : memref<160x125xi32, #tpu.memory_space<vmem>> -> memref<1x125xi32, #tpu.memory_space<vmem>>
        %dma_wait3A_168 = tpu.memref_squeeze %dma_wait3A_167 : memref<1x125xi32, #tpu.memory_space<vmem>> -> memref<125xi32, #tpu.memory_space<vmem>>
        %dma_wait3A_169 = arith.constant 0 : i32
        %dma_wait3A_170 = arith.constant 0 : i32
        %dma_wait3A_171 = tpu.memref_slice %arg12[%dma_wait3A_169, %dma_wait3A_170] : memref<10240x64xf32, #tpu.memory_space<vmem_shared>> -> memref<10240x64xf32, #tpu.memory_space<vmem_shared>>
        tpu.wait_indirect_dma semaphore(%arg17 : memref<!tpu.dma_semaphore, #tpu.memory_space<semaphore_mem>>) src(%arg10 : memref<125x64xf32, #tpu.memory_space<vmem>>) dst(%dma_wait3A_171 : memref<10240x64xf32, #tpu.memory_space<vmem_shared>>)
      } else {
      }
      %add3A_145 = arith.constant 2 : i32
      %add3A_146 = arith.addi %add3A_134, %add3A_145 : i32
      %lt3A_147 = arith.constant 160 : i32
      %lt3A_148 = arith.cmpi slt, %add3A_146, %lt3A_147 : i32
      %add3A_149 = arith.constant 2 : i32
      %add3A_150 = arith.addi %add3A_134, %add3A_149 : i32
      %ge3A_151 = arith.constant 0 : i32
      %ge3A_152 = arith.cmpi sge, %add3A_150, %ge3A_151 : i32
      %and3A_153 = arith.andi %lt3A_148, %ge3A_152 : i1
      %convert_element_type3A_154 = arith.extui %and3A_153 : i1 to i32
      %cond3A_155 = arith.constant 0 : i32
      %cond3A_156 = arith.cmpi ne, %convert_element_type3A_154, %cond3A_155 : i32
      scf.if %cond3A_156 {
        %add3A_165 = arith.constant 2 : i32
        %add3A_166 = arith.addi %add3A_134, %add3A_165 : i32
        %dma_start3A_167 = arith.constant 0 : i32
        %dma_start3A_168 = tpu.memref_slice %arg7[%add3A_166, %dma_start3A_167] : memref<160x125xi32, #tpu.memory_space<vmem>> -> memref<1x125xi32, #tpu.memory_space<vmem>>
        %dma_start3A_169 = tpu.memref_squeeze %dma_start3A_168 : memref<1x125xi32, #tpu.memory_space<vmem>> -> memref<125xi32, #tpu.memory_space<vmem>>
        %dma_start3A_170 = arith.constant 0 : i32
        %dma_start3A_171 = tpu.memref_slice %arg2[%arg0, %dma_start3A_170] : memref<20000x64xf32, #tpu.memory_space<hbm>> -> memref<19999x64xf32, #tpu.memory_space<hbm>>
        %dma_start3A_172 = arith.constant 0 : i32
        %dma_start3A_173 = arith.constant 0 : i32
        %dma_start3A_174 = tpu.memref_slice %dma_start3A_171[%dma_start3A_172, %dma_start3A_173] : memref<19999x64xf32, #tpu.memory_space<hbm>> -> memref<19999x64xf32, #tpu.memory_space<hbm>>
        tpu.enqueue_indirect_dma source(%dma_start3A_174 : memref<19999x64xf32, #tpu.memory_space<hbm>>) target(%arg10 : memref<125x64xf32, #tpu.memory_space<vmem>>) offsets(%dma_start3A_169 : memref<125xi32, #tpu.memory_space<vmem>>) semaphore(%arg14 : memref<!tpu.dma_semaphore, #tpu.memory_space<semaphore_mem>>)
      } else {
      }
      %ge3A_157 = arith.constant 0 : i32
      %ge3A_158 = arith.cmpi sge, %add3A_134, %ge3A_157 : i32
      %lt3A_159 = arith.constant 160 : i32
      %lt3A_160 = arith.cmpi slt, %add3A_134, %lt3A_159 : i32
      %and3A_161 = arith.andi %ge3A_158, %lt3A_160 : i1
      %convert_element_type3A_162 = arith.extui %and3A_161 : i1 to i32
      %cond3A_163 = arith.constant 0 : i32
      %cond3A_164 = arith.cmpi ne, %convert_element_type3A_162, %cond3A_163 : i32
      scf.if %cond3A_164 {
        %dma_wait3A_165 = arith.constant 0 : i32
        %dma_wait3A_166 = arith.constant 0 : i32
        %dma_wait3A_167 = tpu.memref_slice %arg7[%dma_wait3A_165, %dma_wait3A_166] : memref<160x125xi32, #tpu.memory_space<vmem>> -> memref<1x125xi32, #tpu.memory_space<vmem>>
        %dma_wait3A_168 = tpu.memref_squeeze %dma_wait3A_167 : memref<1x125xi32, #tpu.memory_space<vmem>> -> memref<125xi32, #tpu.memory_space<vmem>>
        %dma_wait3A_169 = arith.constant 0 : i32
        %dma_wait3A_170 = tpu.memref_slice %arg2[%arg0, %dma_wait3A_169] : memref<20000x64xf32, #tpu.memory_space<hbm>> -> memref<19999x64xf32, #tpu.memory_space<hbm>>
        %dma_wait3A_171 = arith.constant 0 : i32
        %dma_wait3A_172 = arith.constant 0 : i32
        %dma_wait3A_173 = tpu.memref_slice %dma_wait3A_170[%dma_wait3A_171, %dma_wait3A_172] : memref<19999x64xf32, #tpu.memory_space<hbm>> -> memref<19999x64xf32, #tpu.memory_space<hbm>>
        tpu.wait_indirect_dma semaphore(%arg15 : memref<!tpu.dma_semaphore, #tpu.memory_space<semaphore_mem>>) src(%dma_wait3A_173 : memref<19999x64xf32, #tpu.memory_space<hbm>>) dst(%arg11 : memref<125x64xf32, #tpu.memory_space<vmem>>)
        %dma_start3A_174 = arith.constant 0 : i32
        %dma_start3A_175 = tpu.memref_slice %arg8[%add3A_134, %dma_start3A_174] : memref<160x125xi32, #tpu.memory_space<vmem>> -> memref<1x125xi32, #tpu.memory_space<vmem>>
        %dma_start3A_176 = tpu.memref_squeeze %dma_start3A_175 : memref<1x125xi32, #tpu.memory_space<vmem>> -> memref<125xi32, #tpu.memory_space<vmem>>
        %dma_start3A_177 = arith.constant 0 : i32
        %dma_start3A_178 = arith.constant 0 : i32
        %dma_start3A_179 = tpu.memref_slice %arg12[%dma_start3A_177, %dma_start3A_178] : memref<10240x64xf32, #tpu.memory_space<vmem_shared>> -> memref<10240x64xf32, #tpu.memory_space<vmem_shared>>
        tpu.enqueue_indirect_dma source(%arg11 : memref<125x64xf32, #tpu.memory_space<vmem>>) target(%dma_start3A_179 : memref<10240x64xf32, #tpu.memory_space<vmem_shared>>) offsets(%dma_start3A_176 : memref<125xi32, #tpu.memory_space<vmem>>) semaphore(%arg18 : memref<!tpu.dma_semaphore, #tpu.memory_space<semaphore_mem>>) {add = true}
      } else {
      }
    }
    %scan3A_39 = arith.constant 55 : i32
    %dma_wait3A_40 = arith.constant 0 : i32
    %dma_wait3A_41 = arith.constant 0 : i32
    %dma_wait3A_42 = tpu.memref_slice %arg8[%dma_wait3A_40, %dma_wait3A_41] : memref<160x125xi32, #tpu.memory_space<vmem>> -> memref<1x125xi32, #tpu.memory_space<vmem>>
    %dma_wait3A_43 = tpu.memref_squeeze %dma_wait3A_42 : memref<1x125xi32, #tpu.memory_space<vmem>> -> memref<125xi32, #tpu.memory_space<vmem>>
    %dma_wait3A_44 = arith.constant 0 : i32
    %dma_wait3A_45 = arith.constant 0 : i32
    %dma_wait3A_46 = tpu.memref_slice %arg12[%dma_wait3A_44, %dma_wait3A_45] : memref<10240x64xf32, #tpu.memory_space<vmem_shared>> -> memref<10240x64xf32, #tpu.memory_space<vmem_shared>>
    tpu.wait_indirect_dma semaphore(%arg16 : memref<!tpu.dma_semaphore, #tpu.memory_space<semaphore_mem>>) src(%arg9 : memref<125x64xf32, #tpu.memory_space<vmem>>) dst(%dma_wait3A_46 : memref<10240x64xf32, #tpu.memory_space<vmem_shared>>)
    %dma_wait3A_47 = arith.constant 0 : i32
    %dma_wait3A_48 = arith.constant 0 : i32
    %dma_wait3A_49 = tpu.memref_slice %arg8[%dma_wait3A_47, %dma_wait3A_48] : memref<160x125xi32, #tpu.memory_space<vmem>> -> memref<1x125xi32, #tpu.memory_space<vmem>>
    %dma_wait3A_50 = tpu.memref_squeeze %dma_wait3A_49 : memref<1x125xi32, #tpu.memory_space<vmem>> -> memref<125xi32, #tpu.memory_space<vmem>>
    %dma_wait3A_51 = arith.constant 0 : i32
    %dma_wait3A_52 = arith.constant 0 : i32
    %dma_wait3A_53 = tpu.memref_slice %arg12[%dma_wait3A_51, %dma_wait3A_52] : memref<10240x64xf32, #tpu.memory_space<vmem_shared>> -> memref<10240x64xf32, #tpu.memory_space<vmem_shared>>
    tpu.wait_indirect_dma semaphore(%arg17 : memref<!tpu.dma_semaphore, #tpu.memory_space<semaphore_mem>>) src(%arg10 : memref<125x64xf32, #tpu.memory_space<vmem>>) dst(%dma_wait3A_53 : memref<10240x64xf32, #tpu.memory_space<vmem_shared>>)
    %dma_wait3A_54 = arith.constant 0 : i32
    %dma_wait3A_55 = arith.constant 0 : i32
    %dma_wait3A_56 = tpu.memref_slice %arg8[%dma_wait3A_54, %dma_wait3A_55] : memref<160x125xi32, #tpu.memory_space<vmem>> -> memref<1x125xi32, #tpu.memory_space<vmem>>
    %dma_wait3A_57 = tpu.memref_squeeze %dma_wait3A_56 : memref<1x125xi32, #tpu.memory_space<vmem>> -> memref<125xi32, #tpu.memory_space<vmem>>
    %dma_wait3A_58 = arith.constant 0 : i32
    %dma_wait3A_59 = arith.constant 0 : i32
    %dma_wait3A_60 = tpu.memref_slice %arg12[%dma_wait3A_58, %dma_wait3A_59] : memref<10240x64xf32, #tpu.memory_space<vmem_shared>> -> memref<10240x64xf32, #tpu.memory_space<vmem_shared>>
    tpu.wait_indirect_dma semaphore(%arg18 : memref<!tpu.dma_semaphore, #tpu.memory_space<semaphore_mem>>) src(%arg11 : memref<125x64xf32, #tpu.memory_space<vmem>>) dst(%dma_wait3A_60 : memref<10240x64xf32, #tpu.memory_space<vmem_shared>>)
    %barrier3A_61 = arith.constant 0 : index
    tpu.barrier barrier_id(%barrier3A_61)
    %mul3A_62 = arith.constant 640 : i32
    %mul3A_63 = arith.muli %arg1, %mul3A_62 : i32
    %mul3A_64 = arith.constant 640 : i32
    %mul3A_65 = arith.muli %arg1, %mul3A_64 : i32
    %mul3A_66 = arith.constant 64 : i32
    %mul3A_67 = arith.muli %arg0, %mul3A_66 : i32
    "tpu.region"() ({
      %run_scoped3A = tpu.sem_alloc : memref<!tpu.dma_semaphore, #tpu.memory_space<semaphore_mem>>
      %dma_start3A_68 = tpu.memref_slice %arg6[%mul3A_65, %mul3A_67] : memref<10240x128xf32, #tpu.memory_space<hbm>> -> memref<640x64xf32, #tpu.memory_space<hbm>>
      %dma_start3A_69 = arith.constant 0 : i32
      %dma_start3A_70 = tpu.memref_slice %arg12[%mul3A_63, %dma_start3A_69] : memref<10240x64xf32, #tpu.memory_space<vmem_shared>> -> memref<640x64xf32, #tpu.memory_space<vmem_shared>>
      tpu.enqueue_dma source(%dma_start3A_70 : memref<640x64xf32, #tpu.memory_space<vmem_shared>>) target(%dma_start3A_68 : memref<640x64xf32, #tpu.memory_space<hbm>>) target_semaphore(%run_scoped3A : memref<!tpu.dma_semaphore, #tpu.memory_space<semaphore_mem>>)
      %dma_wait3A_71 = tpu.memref_slice %arg6[%mul3A_65, %mul3A_67] : memref<10240x128xf32, #tpu.memory_space<hbm>> -> memref<640x64xf32, #tpu.memory_space<hbm>>
      %dma_wait3A_72 = arith.constant 0 : i32
      %dma_wait3A_73 = tpu.memref_slice %arg12[%mul3A_63, %dma_wait3A_72] : memref<10240x64xf32, #tpu.memory_space<vmem_shared>> -> memref<640x64xf32, #tpu.memory_space<vmem_shared>>
      tpu.wait_dma2 semaphore(%run_scoped3A : memref<!tpu.dma_semaphore, #tpu.memory_space<semaphore_mem>>) src(%dma_wait3A_73 : memref<640x64xf32, #tpu.memory_space<vmem_shared>>) dst(%dma_wait3A_71 : memref<640x64xf32, #tpu.memory_space<hbm>>)
      tpu.yield
    }) : () -> ()
    return
  }
}

module attributes {stable_mosaic.version = 14 : i64} {
  func.func @_mlp1_body(%arg0: memref<10240x128xf32, #tpu.memory_space<vmem>>, %arg1: memref<10000x128xf32, #tpu.memory_space<vmem>>, %arg2: memref<128x128xf32, #tpu.memory_space<vmem>>, %arg3: memref<1x128xf32, #tpu.memory_space<vmem>>, %arg4: memref<1x128xf32, #tpu.memory_space<vmem>>, %arg5: memref<1x128xf32, #tpu.memory_space<vmem>>, %arg6: memref<10000x128xf32, #tpu.memory_space<vmem>>) attributes {dimension_semantics = [], scalar_prefetch = 0 : i64, scratch_operands = 0 : i64, tpu.core_type = #tpu.core_type<tc>} {
    %get3A = arith.constant 0 : index
    %get3A_0 = arith.constant 0 : index
    %get3A_1 = vector.load %arg0[%get3A, %get3A_0] : memref<10240x128xf32, #tpu.memory_space<vmem>>, vector<10000x128xf32>
    %get3A_2 = arith.constant 0 : index
    %get3A_3 = arith.constant 0 : index
    %get3A_4 = vector.load %arg1[%get3A_2, %get3A_3] : memref<10000x128xf32, #tpu.memory_space<vmem>>, vector<10000x128xf32>
    %add3A = arith.addf %get3A_1, %get3A_4 : vector<10000x128xf32>
    %get3A_5 = arith.constant 0 : index
    %get3A_6 = arith.constant 0 : index
    %get3A_7 = vector.load %arg2[%get3A_5, %get3A_6] : memref<128x128xf32, #tpu.memory_space<vmem>>, vector<128x128xf32>
    %dot_general3A = arith.constant dense<0.000000e+00> : vector<10000x128xf32>
    %dot_general3A_8 = tpu.matmul %add3A, %get3A_7, %dot_general3A {dimension_numbers = #tpu.dot_dimension_numbers<[1], [0], [0], [1], [0, 0, 1, 1], [], []>, transpose_lhs_hint = false} : vector<10000x128xf32>, vector<128x128xf32>, vector<10000x128xf32> -> vector<10000x128xf32>
    %get3A_9 = arith.constant 0 : index
    %get3A_10 = arith.constant 0 : index
    %get3A_11 = vector.load %arg3[%get3A_9, %get3A_10] : memref<1x128xf32, #tpu.memory_space<vmem>>, vector<1x128xf32>
    %add3A_12 = vector.broadcast %get3A_11 : vector<1x128xf32> to vector<10000x128xf32>
    %add3A_13 = arith.addf %dot_general3A_8, %add3A_12 : vector<10000x128xf32>
    %reduce_sum3A = arith.constant dense<0.000000e+00> : vector<128xf32>
    %reduce_sum3A_14 = vector.multi_reduction <add>, %add3A_13, %reduce_sum3A [0] : vector<10000x128xf32> to vector<128xf32>
    %broadcast_in_dim3A = vector.shape_cast %reduce_sum3A_14 : vector<128xf32> to vector<1x128xf32>
    %div3A = arith.constant 1.000000e+04 : f32
    %div3A_15 = vector.broadcast %div3A : f32 to vector<1x128xf32>
    %div3A_16 = arith.divf %broadcast_in_dim3A, %div3A_15 : vector<1x128xf32>
    %sub3A = vector.broadcast %div3A_16 : vector<1x128xf32> to vector<10000x128xf32>
    %sub3A_17 = arith.subf %add3A_13, %sub3A : vector<10000x128xf32>
    %integer_pow3A = arith.mulf %sub3A_17, %sub3A_17 : vector<10000x128xf32>
    %reduce_sum3A_18 = arith.constant dense<0.000000e+00> : vector<128xf32>
    %reduce_sum3A_19 = vector.multi_reduction <add>, %integer_pow3A, %reduce_sum3A_18 [0] : vector<10000x128xf32> to vector<128xf32>
    %broadcast_in_dim3A_20 = vector.shape_cast %reduce_sum3A_19 : vector<128xf32> to vector<1x128xf32>
    %div3A_21 = arith.constant 1.000000e+04 : f32
    %div3A_22 = vector.broadcast %div3A_21 : f32 to vector<1x128xf32>
    %div3A_23 = arith.divf %broadcast_in_dim3A_20, %div3A_22 : vector<1x128xf32>
    %get3A_24 = arith.constant 0 : index
    %get3A_25 = arith.constant 0 : index
    %get3A_26 = vector.load %arg4[%get3A_24, %get3A_25] : memref<1x128xf32, #tpu.memory_space<vmem>>, vector<1x128xf32>
    %sub3A_27 = vector.broadcast %div3A_16 : vector<1x128xf32> to vector<10000x128xf32>
    %sub3A_28 = arith.subf %add3A_13, %sub3A_27 : vector<10000x128xf32>
    %mul3A = vector.broadcast %get3A_26 : vector<1x128xf32> to vector<10000x128xf32>
    %mul3A_29 = arith.mulf %mul3A, %sub3A_28 : vector<10000x128xf32>
    %add3A_30 = arith.constant 9.99999974E-6 : f32
    %add3A_31 = vector.broadcast %add3A_30 : f32 to vector<1x128xf32>
    %add3A_32 = arith.addf %div3A_23, %add3A_31 : vector<1x128xf32>
    %rsqrt3A = math.rsqrt %add3A_32 : vector<1x128xf32>
    %mul3A_33 = vector.broadcast %rsqrt3A : vector<1x128xf32> to vector<10000x128xf32>
    %mul3A_34 = arith.mulf %mul3A_29, %mul3A_33 : vector<10000x128xf32>
    %get3A_35 = arith.constant 0 : index
    %get3A_36 = arith.constant 0 : index
    %get3A_37 = vector.load %arg5[%get3A_35, %get3A_36] : memref<1x128xf32, #tpu.memory_space<vmem>>, vector<1x128xf32>
    %add3A_38 = vector.broadcast %get3A_37 : vector<1x128xf32> to vector<10000x128xf32>
    %add3A_39 = arith.addf %mul3A_34, %add3A_38 : vector<10000x128xf32>
    %max3A = arith.constant 0.000000e+00 : f32
    %max3A_40 = vector.broadcast %max3A : f32 to vector<10000x128xf32>
    %max3A_41 = arith.maximumf %add3A_39, %max3A_40 : vector<10000x128xf32>
    %swap3A = arith.constant 0 : index
    %swap3A_42 = arith.constant 0 : index
    %swap3A_43 = vector.load %arg6[%swap3A, %swap3A_42] : memref<10000x128xf32, #tpu.memory_space<vmem>>, vector<10000x128xf32>
    tpu.vector_store %arg6[%swap3A, %swap3A_42], %max3A_41 {strides = array<i32>} : memref<10000x128xf32, #tpu.memory_space<vmem>>, vector<10000x128xf32>,
    return
  }
}

module attributes {stable_mosaic.version = 14 : i64} {
  func.func @_mlp2_body(%arg0: memref<10240x128xf32, #tpu.memory_space<vmem>>, %arg1: memref<10000x128xf32, #tpu.memory_space<vmem>>, %arg2: memref<128x128xf32, #tpu.memory_space<vmem>>, %arg3: memref<1x128xf32, #tpu.memory_space<vmem>>, %arg4: memref<1x128xf32, #tpu.memory_space<vmem>>, %arg5: memref<1x128xf32, #tpu.memory_space<vmem>>, %arg6: memref<128x128xf32, #tpu.memory_space<vmem>>, %arg7: memref<1x128xf32, #tpu.memory_space<vmem>>, %arg8: memref<10000x128xf32, #tpu.memory_space<vmem>>) attributes {dimension_semantics = [], scalar_prefetch = 0 : i64, scratch_operands = 0 : i64, tpu.core_type = #tpu.core_type<tc>} {
    %get3A = arith.constant 0 : index
    %get3A_0 = arith.constant 0 : index
    %get3A_1 = vector.load %arg0[%get3A, %get3A_0] : memref<10240x128xf32, #tpu.memory_space<vmem>>, vector<10000x128xf32>
    %get3A_2 = arith.constant 0 : index
    %get3A_3 = arith.constant 0 : index
    %get3A_4 = vector.load %arg1[%get3A_2, %get3A_3] : memref<10000x128xf32, #tpu.memory_space<vmem>>, vector<10000x128xf32>
    %add3A = arith.addf %get3A_1, %get3A_4 : vector<10000x128xf32>
    %get3A_5 = arith.constant 0 : index
    %get3A_6 = arith.constant 0 : index
    %get3A_7 = vector.load %arg2[%get3A_5, %get3A_6] : memref<128x128xf32, #tpu.memory_space<vmem>>, vector<128x128xf32>
    %dot_general3A = arith.constant dense<0.000000e+00> : vector<10000x128xf32>
    %dot_general3A_8 = tpu.matmul %add3A, %get3A_7, %dot_general3A {dimension_numbers = #tpu.dot_dimension_numbers<[1], [0], [0], [1], [0, 0, 1, 1], [], []>, transpose_lhs_hint = false} : vector<10000x128xf32>, vector<128x128xf32>, vector<10000x128xf32> -> vector<10000x128xf32>
    %get3A_9 = arith.constant 0 : index
    %get3A_10 = arith.constant 0 : index
    %get3A_11 = vector.load %arg3[%get3A_9, %get3A_10] : memref<1x128xf32, #tpu.memory_space<vmem>>, vector<1x128xf32>
    %add3A_12 = vector.broadcast %get3A_11 : vector<1x128xf32> to vector<10000x128xf32>
    %add3A_13 = arith.addf %dot_general3A_8, %add3A_12 : vector<10000x128xf32>
    %reduce_sum3A = arith.constant dense<0.000000e+00> : vector<128xf32>
    %reduce_sum3A_14 = vector.multi_reduction <add>, %add3A_13, %reduce_sum3A [0] : vector<10000x128xf32> to vector<128xf32>
    %broadcast_in_dim3A = vector.shape_cast %reduce_sum3A_14 : vector<128xf32> to vector<1x128xf32>
    %div3A = arith.constant 1.000000e+04 : f32
    %div3A_15 = vector.broadcast %div3A : f32 to vector<1x128xf32>
    %div3A_16 = arith.divf %broadcast_in_dim3A, %div3A_15 : vector<1x128xf32>
    %sub3A = vector.broadcast %div3A_16 : vector<1x128xf32> to vector<10000x128xf32>
    %sub3A_17 = arith.subf %add3A_13, %sub3A : vector<10000x128xf32>
    %integer_pow3A = arith.mulf %sub3A_17, %sub3A_17 : vector<10000x128xf32>
    %reduce_sum3A_18 = arith.constant dense<0.000000e+00> : vector<128xf32>
    %reduce_sum3A_19 = vector.multi_reduction <add>, %integer_pow3A, %reduce_sum3A_18 [0] : vector<10000x128xf32> to vector<128xf32>
    %broadcast_in_dim3A_20 = vector.shape_cast %reduce_sum3A_19 : vector<128xf32> to vector<1x128xf32>
    %div3A_21 = arith.constant 1.000000e+04 : f32
    %div3A_22 = vector.broadcast %div3A_21 : f32 to vector<1x128xf32>
    %div3A_23 = arith.divf %broadcast_in_dim3A_20, %div3A_22 : vector<1x128xf32>
    %get3A_24 = arith.constant 0 : index
    %get3A_25 = arith.constant 0 : index
    %get3A_26 = vector.load %arg4[%get3A_24, %get3A_25] : memref<1x128xf32, #tpu.memory_space<vmem>>, vector<1x128xf32>
    %sub3A_27 = vector.broadcast %div3A_16 : vector<1x128xf32> to vector<10000x128xf32>
    %sub3A_28 = arith.subf %add3A_13, %sub3A_27 : vector<10000x128xf32>
    %mul3A = vector.broadcast %get3A_26 : vector<1x128xf32> to vector<10000x128xf32>
    %mul3A_29 = arith.mulf %mul3A, %sub3A_28 : vector<10000x128xf32>
    %add3A_30 = arith.constant 9.99999974E-6 : f32
    %add3A_31 = vector.broadcast %add3A_30 : f32 to vector<1x128xf32>
    %add3A_32 = arith.addf %div3A_23, %add3A_31 : vector<1x128xf32>
    %rsqrt3A = math.rsqrt %add3A_32 : vector<1x128xf32>
    %mul3A_33 = vector.broadcast %rsqrt3A : vector<1x128xf32> to vector<10000x128xf32>
    %mul3A_34 = arith.mulf %mul3A_29, %mul3A_33 : vector<10000x128xf32>
    %get3A_35 = arith.constant 0 : index
    %get3A_36 = arith.constant 0 : index
    %get3A_37 = vector.load %arg5[%get3A_35, %get3A_36] : memref<1x128xf32, #tpu.memory_space<vmem>>, vector<1x128xf32>
    %add3A_38 = vector.broadcast %get3A_37 : vector<1x128xf32> to vector<10000x128xf32>
    %add3A_39 = arith.addf %mul3A_34, %add3A_38 : vector<10000x128xf32>
    %max3A = arith.constant 0.000000e+00 : f32
    %max3A_40 = vector.broadcast %max3A : f32 to vector<10000x128xf32>
    %max3A_41 = arith.maximumf %add3A_39, %max3A_40 : vector<10000x128xf32>
    %get3A_42 = arith.constant 0 : index
    %get3A_43 = arith.constant 0 : index
    %get3A_44 = vector.load %arg6[%get3A_42, %get3A_43] : memref<128x128xf32, #tpu.memory_space<vmem>>, vector<128x128xf32>
    %dot_general3A_45 = arith.constant dense<0.000000e+00> : vector<10000x128xf32>
    %dot_general3A_46 = tpu.matmul %max3A_41, %get3A_44, %dot_general3A_45 {dimension_numbers = #tpu.dot_dimension_numbers<[1], [0], [0], [1], [0, 0, 1, 1], [], []>, transpose_lhs_hint = false} : vector<10000x128xf32>, vector<128x128xf32>, vector<10000x128xf32> -> vector<10000x128xf32>
    %get3A_47 = arith.constant 0 : index
    %get3A_48 = arith.constant 0 : index
    %get3A_49 = vector.load %arg7[%get3A_47, %get3A_48] : memref<1x128xf32, #tpu.memory_space<vmem>>, vector<1x128xf32>
    %add3A_50 = vector.broadcast %get3A_49 : vector<1x128xf32> to vector<10000x128xf32>
    %add3A_51 = arith.addf %dot_general3A_46, %add3A_50 : vector<10000x128xf32>
    %max3A_52 = arith.constant 0.000000e+00 : f32
    %max3A_53 = vector.broadcast %max3A_52 : f32 to vector<10000x128xf32>
    %max3A_54 = arith.maximumf %add3A_51, %max3A_53 : vector<10000x128xf32>
    %swap3A = arith.constant 0 : index
    %swap3A_55 = arith.constant 0 : index
    %swap3A_56 = vector.load %arg8[%swap3A, %swap3A_55] : memref<10000x128xf32, #tpu.memory_space<vmem>>, vector<10000x128xf32>
    tpu.vector_store %arg8[%swap3A, %swap3A_55], %max3A_54 {strides = array<i32>} : memref<10000x128xf32, #tpu.memory_space<vmem>>, vector<10000x128xf32>,
    return
  }
}

</mosaic_0001>

<sc_bundles>
// kernel: kernel.6.cloned.1.call-start
scs
__scs_entry_jumppad:
0x0: {  	(pc) =	sbr.rel $0x88, $3  }
0x1: {  	(tag) =	ssettag $0x0;
	lr =	simm.s32 $0x1  }
0x2: {  	[smem:$0x3F95] =	sst lr;
	_ =	strace $0xD0000000  }
0x3: {  	_ = 	snop  }
0x4: {  	_ = 	snop  }
0x5: {  	_ = 	snop  }
0x6: {  	_ = 	snop  }
0x7: {  	_ = 	snop  }
__scs_overlays_trampoline_lowered:
0x8: {  	[smem:$0x3FA4] =	sst s0  }
0x9: {  	[smem:$0x3FA5] =	sst s1  }
0xa: {  	[smem:$0x3FA6] =	sst s2  }
0xb: {  	[smem:$0x3FA7] =	sst s3  }
0xc: {  	[smem:$0x3FA8] =	sst s4  }
0xd: {  	[smem:$0x3FA9] =	sst s5  }
0xe: {  	[smem:$0x3FAA] =	sst s6  }
0xf: {  	[smem:$0x3FAB] =	sst s7  }
0x10: {  	[smem:$0x3FAC] =	sst s8  }
0x11: {  	[smem:$0x3FAD] =	sst s9;
	s0 =	simm.s32 @!p0 $0x0  }
0x12: {  	s1 =	sld [smem:$0x3F93];
	s0 =	simm.s32 @p0 $0x1  }
0x13: {  	[smem:$0x3FAE] =	sst s0;
	s0 =	simm.s32 @!p1 $0x0  }
0x14: {  	s2 =	sld [smem:$0x3F92];
	s0 =	simm.s32 @p1 $0x1  }
0x15: {  	[smem:$0x3FAF] =	sst s0;
	s0 =	simm.s32 @!p2 $0x0  }
0x16: {  	s3 =	sld [smem:$0x3FDB];
	s0 =	simm.s32 @p2 $0x1  }
0x17: {  	s4 =	simm.s32 $0x1BF5;
	[smem:$0x3FB1] =	sst s0  }
0x18: {  	s0 =	sld [smem:$0x3F94];
	_ =	swait.ge [sflag:s4], $0x0  }
0x19: {  	s7 =	sld [smem:$0x3F95]  }
0x1a: {  	s8 =	sadd.s32 $0xFFFFE003, lr  }
0x1b: {  	s9 =	sadd.s32 $0xFFFFFEF7, lr;
	s5 =	simm.s32 $0xFFFFFFFF;
	p2 =	slt.u32 s8, $0xFFFFF086  }
0x1c: {  	p1 =	slt.u32 s9, $0xF7A;
	s5 =	simm.s32 @!p2 $0x0  }
0x1d: {  	s5 =	simm.s32 @p1 $0x1;
	p0 =	seq.s32 s7, s2  }
0x1e: {  	s7 =	smul.u32 @!p0 $0xF7A, s2;
	p2 =	seq.s32 @!p0 s5, $0x0  }
0x1f: {  	s9 =	smul.u32 $0xF7A, s1;
	s8 =	simm.s32 @!p0 $0x1BF5;
	p2 =	por !p2, p0  }
0x20: {  	[sflag:s8] =	ssyncset.s32 @!p0 $0xFFFFF086;
	s6 =	sadd.s32 @!p0 s3, s7;
	s7 =	simm.s32 @!p0 $0x108  }
0x21: {  	s3 =	sadd.s32 s3, s9;
	s6 =	sadd.s32 @!p0 $0x88, s6;
	s7 =	simm.s32 @p2 $0x1082  }
0x22: {  	[simem:s7], [sflag:s8] =	dma.local @!p0 [hbm:s6], $0xF7A  }
0x23: {  	s9 =	sor.u32 $0xD0000000, s2;
	s6 =	simm.s32 $0x108;
	_ =	swait.ge @!p0 [sflag:s8], $0x0  }
0x24: {  	s3 =	sadd.s32 $0x88, s3;
	s6 =	simm.s32 @!p1 $0x1082;
	[sflag:s4] =	ssyncset.s32 $0xFFFFF086  }
0x25: {  	[simem:s6], [sflag:s4] =	dma.local [hbm:s3], $0xF7A  }
0x26: {  	[smem:$0x3F95] =	sst s1;
	(tag) =	ssettag s2;
	_ =	strace s9  }
0x27: {  	s1 =	sld [smem:$0x3FA5]  }
0x28: {  	s2 =	sld [smem:$0x3FA6]  }
0x29: {  	s4 =	sld [smem:$0x3FA8]  }
0x2a: {  	p0 =	seq.s32 s5, $0x0;
	s5 =	sld [smem:$0x3FA9]  }
0x2b: {  	s6 =	sld [smem:$0x3FAA]  }
0x2c: {  	s7 =	sld [smem:$0x3FAB]  }
0x2d: {  	s3 =	simm.s32 $0x108;
	s8 =	sld [smem:$0x3FAC]  }
0x2e: {  	s3 =	simm.s32 @!p0 $0x1082;
	s9 =	sld [smem:$0x3FAD]  }
0x2f: {  	lr =	sadd.s32 s0, s3;
	s0 =	sld [smem:$0x3FA4]  }
0x30: {  	s3 =	sld [smem:$0x3FA7]  }
0x31: {  	[smem:$0x3FB0] =	sst s10  }
0x32: {  	s10 =	sld [smem:$0x3FAE];
	_ =	sdelay $0x3  }
0x33: {  	p0 =	seq.s32 s10, $0x1;
	s10 =	sld [smem:$0x3FB0];
	_ =	sdelay $0x3  }
0x34: {  	[smem:$0x3FB0] =	sst s10  }
0x35: {  	s10 =	sld [smem:$0x3FAF];
	_ =	sdelay $0x3  }
0x36: {  	p1 =	seq.s32 s10, $0x1;
	s10 =	sld [smem:$0x3FB0];
	_ =	sdelay $0x3  }
0x37: {  	[smem:$0x3FB0] =	sst s10  }
0x38: {  	s10 =	sld [smem:$0x3FB1]  }
0x39: {  	_ = 	snop;
	(pc) =	sbr.ind lr, $3  }
0x3a: {  	_ = 	snop  }
0x3b: {  	_ = 	snop  }
0x3c: {  	p2 =	seq.s32 s10, $0x1;
	s10 =	sld [smem:$0x3FB0]  }
0x3d: {  	_ =	shalt  }
0x3e: {  	_ =	shalt  }
0x3f: {  	_ =	shalt  }
0x40: {  	_ =	shalt  }
0x41: {  	_ =	shalt  }
0x42: {  	_ =	shalt  }
0x43: {  	_ =	shalt  }
0x44: {  	_ =	shalt  }
0x45: {  	_ =	shalt  }
0x46: {  	_ =	shalt  }
0x47: {  	_ =	shalt  }
0x48: {  	_ =	shalt  }
0x49: {  	_ =	shalt  }
0x4a: {  	_ =	shalt  }
0x4b: {  	_ =	shalt  }
0x4c: {  	_ =	shalt  }
0x4d: {  	_ =	shalt  }
0x4e: {  	_ =	shalt  }
0x4f: {  	_ =	shalt  }
0x50: {  	_ =	shalt  }
0x51: {  	_ =	shalt  }
0x52: {  	_ =	shalt  }
0x53: {  	_ =	shalt  }
0x54: {  	_ =	shalt  }
0x55: {  	_ =	shalt  }
0x56: {  	_ =	shalt  }
0x57: {  	_ =	shalt  }
0x58: {  	_ =	shalt  }
0x59: {  	_ =	shalt  }
0x5a: {  	_ =	shalt  }
0x5b: {  	_ =	shalt  }
0x5c: {  	_ =	shalt  }
0x5d: {  	_ =	shalt  }
0x5e: {  	_ =	shalt  }
0x5f: {  	_ =	shalt  }
0x60: {  	_ =	shalt  }
0x61: {  	_ =	shalt  }
0x62: {  	_ =	shalt  }
0x63: {  	_ =	shalt  }
0x64: {  	_ =	shalt  }
0x65: {  	_ =	shalt  }
0x66: {  	_ =	shalt  }
0x67: {  	_ =	shalt  }
0x68: {  	_ =	shalt  }
0x69: {  	_ =	shalt  }
0x6a: {  	_ =	shalt  }
0x6b: {  	_ =	shalt  }
0x6c: {  	_ =	shalt  }
0x6d: {  	_ =	shalt  }
0x6e: {  	_ =	shalt  }
0x6f: {  	_ =	shalt  }
0x70: {  	_ =	shalt  }
0x71: {  	_ =	shalt  }
0x72: {  	_ =	shalt  }
0x73: {  	_ =	shalt  }
0x74: {  	_ =	shalt  }
0x75: {  	_ =	shalt  }
0x76: {  	_ =	shalt  }
0x77: {  	_ =	shalt  }
0x78: {  	_ =	shalt  }
0x79: {  	_ =	shalt  }
0x7a: {  	_ =	shalt  }
0x7b: {  	_ =	shalt  }
0x7c: {  	_ =	shalt  }
0x7d: {  	_ =	shalt  }
0x7e: {  	_ =	shalt  }
0x7f: {  	_ =	shalt  }
0x80: {  	_ =	shalt  }
0x81: {  	_ =	shalt  }
0x82: {  	_ =	shalt  }
0x83: {  	_ =	shalt  }
0x84: {  	_ =	shalt  }
0x85: {  	_ =	shalt  }
0x86: {  	_ =	shalt  }
0x87: {  	_ =	shalt  }
.Lfunc_end0:
.L_simem_size_0:
called_computation_lowered:
.L_overlay_start_0:
0x88: {  	s2 =	sld [smem:$0x3FD9]  }
0x89: {  	s3 =	sld [smem:$0x3FFE];
	_ =	sdelay $0x1  }
0x8a: {  	s1 =	srdreg.scid  }
0x8b: {  	s0 =	sand.u32 $0x1, s1  }
0x8c: {  	s17 =	sshll.u32 s0, $0xA;
	s2 =	sadd.s32 s3, s2  }
0x8d: {  	s2 =	sadd.s32 s2, s17  }
0x8e: {  	[smem:$0x3FBC] =	sst s2  }
0x8f: {  	_ = 	snop  }
0x90: {  	s2 =	sld [smem:$0x3FC8];
	(tm) =	ssettm $0x1  }
0x91: {  	s18 =	sld [smem:$0x3FFB];
	_ =	sdelay $0x3  }
0x92: {  	_ =	strace s18  }
0x93: {  	s3 =	sld [smem:$0x3FFC];
	_ =	sdelay $0x3  }
0x94: {  	_ =	strace s3  }
0x95: {  	s3 =	sld [smem:$0x3FFD];
	_ =	sdelay $0x3  }
0x96: {  	_ =	strace s3  }
0x97: {  	_ =	strace $0x8FFFFFFF  }
0x98: {  	s19 =	sld [smem:$0x3FDB];
	_ =	sdelay $0x1  }
0x99: {  	s4 =	simm.s32 $_scs_section_size  }
0x9a: {  	s5 =	simm.s32 $_size__tile_overlayer_lowered;
	s6 =	simm.s32 $_tile_overlayer_lowered  }
0x9b: {  	s22 =	simm.s32 $0x1BFF;
	s21 =	sshll.u32 s6, $0x1;
	s3 =	sadd.s32 s4, s19  }
0x9c: {  	s7 =	simm.s32 $0x0;
	s20 =	sshll.u32 s5, $0x1;
	s5 =	sadd.s32 s21, s3  }
0x9d: {  	[timem:s7], [sflag:s22] =	dma.local [hbm:s5], s20  }
0x9e: {  	_ =	swait.ge [sflag:s22], s20  }
0x9f: {  	s4 =	ssub.s32 $0x0, s20;
	[sflag:s22] =	ssyncset.done $0x0  }
0xa0: {  	[sflag:s22] =	ssyncadd.s32 s4;
	_ =	sdelay $0x1  }
0xa1: {  	s23 =	simm.s32 $0x1B8B  }
0xa2: {  	_ =	swait.ge [sflag:s23], $0x1  }
0xa3: {  	[sflag:s23] =	ssyncset.done $0x0  }
0xa4: {  	s25 =	simm.s32 $0x1B8E;
	s24 =	sld [smem:$0x3FFE];
	[sflag:s23] =	ssyncadd.s32 $0xFFFFFFFF  }
0xa5: {  	s26 =	simm.s32 $execute0_lowered;
	[smem:$0x3FD2] =	sst s25  }
0xa6: {  	s5 =	sshll.u32 s26, $0x1;
	_ =	strace $0x80000046;
	[dreg:$0x1] =	wrdreg $0xFFFFFFFF  }
0xa7: {  	s28 =	simm.s32 $_size_execute0_lowered;
	s3 =	sadd.s32 s3, s5;
	[dreg:$0x0] =	wrdreg $0x0  }
0xa8: {  	s5 =	sshll.u32 s28, $0x1;
	[dreg:$0x2] =	wrdreg s3  }
0xa9: {  	[dreg:$0x3] =	wrdreg s5  }
0xaa: {  	[dreg:$0x4] =	wrdreg $0xC0  }
0xab: {  	_ =	task [dreg:s7], $0x5FFFF  }
0xac: {  	[dreg:$0x1] =	wrdreg $0xFFFFFFFF  }
0xad: {  	[dreg:$0x0] =	wrdreg $0x60  }
0xae: {  	[dreg:$0x2] =	wrdreg s2  }
0xaf: {  	[dreg:$0x3] =	wrdreg s24  }
0xb0: {  	[dreg:$0x4] =	wrdreg $0xFDC00  }
0xb1: {  	[dreg:$0x5] =	wrdreg $0x9  }
0xb2: {  	_ =	task.clear_ibuf [dreg:s7], $0x6FFFF;
	_ =	strace $0x90000046  }
0xb3: {  	s29 =	simm.s32 $0x9;
	_ =	strace $0x80000048  }
0xb4: {  	_ =	swait.ge [sflag:s29], $0x1  }
0xb5: {  	[sflag:s29] =	ssyncadd.s32 $0xFFFFFFFF  }
0xb6: {  	_ =	strace $0x90000048  }
0xb7: {  	_ =	sfence  }
0xb8: {  	s30 =	sld [smem:$0x0];
	_ =	sdelay $0x2  }
0xb9: {  	s31 =	sshll.u32 s1, $0xD;
	s1 =	sshrl.u32 s1, $0x2  }
0xba: {  	s3 =	sand.u32 $0x4000, s31;
	s1 =	sadd.s32 s1, s30  }
0xbb: {  	s0 =	sor.u32 s3, s0;
	s1 =	sshll.u32 s1, $0x11  }
0xbc: {  	s0 =	sor.u32 s1, s0  }
0xbd: {  	s0 =	sadd.s32 $0x8F2B, s0  }
0xbe: {  	[sflag:s0] =	ssyncadd.remote.s32 $0x1  }
0xbf: {  	_ =	sfence.sel $0xFFFF  }
0xc0: {  	[dreg:$0x0] =	wrdreg $0xFFFFFFFF;
	(pc) =	sbr.abs _section_cstart, $3  }
0xc1: {  	[dreg:$0x1] =	wrdreg $0xFFFFFFFF  }
0xc2: {  	_ =	task.clear_ibuf [dreg:s7], $0x2FFFF;
	_ =	strace $0x9FFFFFFF  }
0xc3: {  	(tm) =	ssettm $0x7FFFFFFF  }
tec
execute0_lowered:
.L_overlay_start_1:
0x0: {  	(tag) =	ssettag $0x1  }
0x1: {  	s0 =	rddreg [dreg:$0x0]  }
0x2: {  	s5 =	rddreg [dreg:$0x1]  }
0x3: {  	s2 =	rddreg [dreg:$0x2];
	s1 =	stileid.u32  }
0x4: {  	s6 =	srdreg.scid;
	s3 =	simm.s32 $0x0;
	s14 =	simm.s32 $0x1  }
0x5: {  	s15 =	simm.s32 $0x2;
	s16 =	simm.s32 $0x3;
	s17 =	simm.s32 $0x7D  }
0x6: {  	s18 =	simm.s32 $0xDE80;
	s19 =	simm.s32 $0xA000;
	s20 =	simm.s32 $0x5  }
0x7: {  	s21 =	simm.s32 $0xBF40;
	s22 =	simm.s32 $0x4;
	s4 =	smul.u32 $0xA00, s1  }
0x8: {  	s23 =	simm.s32 $0x6;
	s28 =	simm.s32 $0x0;
	s24 =	smul.u32 $0x14000, s1  }
0x9: {  	s7 =	sand.u32 $0x1, s6;
	[smem:$0x7FF] =	sst s3;
	s10 =	smul.u32 $0x28000, s1  }
0xa: {  	s8 =	sshll.u32 s7, $0x6;
	_ =	strace $0x80000047;
	s26 =	ssub.s32 $0x2, s7  }
0xb: {  	s31 =	sshll.u32 s7, $0x3;
	s9 =	sadd.s32 s4, s5;
	s25 =	sor.u32 s8, s24  }
0xc: {  	s4 =	sadd.s32 $0x16A00, s5;
	s29 =	sshrl.u32 s26, $0x1;
	s30 =	sshrl.u32 s10, $0x2  }
.Ltmp0:
0xd: {  	s6 =	sshrl.u32 s25, $0x3;
	s12 =	ssub.s32 s26, s29;
	(pc) =	sbr.rel .LBB2_1-.Ltmp0, $4  }
0xe: {  	s13 =	sadd.s32 s30, s2;
	s7 =	sadd.s32 $0x2A00, s9;
	s8 =	sadd.s32 $0xCA00, s9  }
0xf: {  	s9 =	sadd.s32 s0, s31;
	s11 =	sadd.s32 s6, s5;
	s5 =	sshll.u32 s1, $0x6  }
0x10: {  	s25 =	simm.s32 $0x8;
	s26 =	simm.s32 $0x7;
	s6 =	sor.u32 $0x1C01, s5  }
0x11: {  	s10 =	sadd.s32 $0x17E00, s11;
	s11 =	smax.u32 s12, $0x1;
	s12 =	sshrl.u32 s13, $0x3  }
.LBB2_11:
0x12: {  	s0 =	simm.s32 @!p1 $0x6  }
0x13: {  	_ =	swait.ge @!p1 [sflag:s0], $0x1F40  }
0x14: {  	[sflag:s0] =	ssyncset.done @!p1 $0x0  }
0x15: {  	[sflag:s0] =	ssyncadd.s32 @!p1 $0xFFFFE0C0  }
0x16: {  	_ =	swait.ge [sflag:s14], $0x1F40  }
0x17: {  	s30 =	sshra.s32 s29, $0x2;
	[sflag:s14] =	ssyncset.done $0x0  }
0x18: {  	s0 =	sadd.s32 $0x4E80, s30;
	[sflag:s14] =	ssyncadd.s32 $0xFFFFE0C0  }
0x19: {  	[spmem:s2] =	stream.indirect.scatter.add.f32 [tilespmem:s19], [sflag:$0x4], $0x40, s0, s17, $0xb8;
	[tilespmem:$0x19DC0] =	vst v63  }
0x1a: {  	_ =	swait.ge [sflag:s22], $0x1F40  }
0x1b: {  	[sflag:s22] =	ssyncset.done $0x0  }
0x1c: {  	[sflag:s22] =	ssyncadd.s32 $0xFFFFE0C0  }
0x1d: {  	_ =	swait.ge [sflag:s20], $0x1F40  }
0x1e: {  	[sflag:s20] =	ssyncset.done $0x0  }
0x1f: {  	[sflag:s20] =	ssyncadd.s32 $0xFFFFE0C0  }
0x20: {  	_ =	swait.ge [sflag:s23], $0x1F40  }
0x21: {  	s28 =	sadd.s32 $0x1, s28;
	[sflag:s23] =	ssyncset.done $0x0  }
0x22: {  	s31 =	sor.u32 $0x1C07, s5;
	p0 =	sne.s32 s28, s11;
	[sflag:s23] =	ssyncadd.s32 $0xFFFFE0C0  }
.Ltmp1:
0x23: {  	s1 =	simm.s32 $0x10;
	[bflag:$0x0] =	sbarrier.arrive $0xFFFF;
	(pc) =	sbr.rel @!p0 .LBB2_12-.Ltmp1, $4  }
0x24: {  	[hbm:s10@s1], [sflag:s31] =	dma.strided [spmem:s12@s25], $0x1400, s14, $0x8   }
0x25: {  	_ =	swait.ge [sflag:s26], $0x1400  }
0x26: {  	[sflag:s26] =	ssyncset.done $0x0  }
0x27: {  	[sflag:s26] =	ssyncadd.s32 $0xFFFFEC00  }
.LBB2_1:
0x28: {  	[spmem:s12], [sflag:s6] =	dma.local [hbm:s4], $0x1400  }
0x29: {  	[tilespmem:s3], [sflag:$0x2] =	stream.linear.gather [hbm4b:s7+s3], $0x5000, $0x38;
	[tilespmem:$0x19DC0] =	vst v63  }
0x2a: {  	s0 =	simm.s32 $0x5000  }
0x2b: {  	[tilespmem:s0], [sflag:$0x3] =	stream.linear.gather [hbm4b:s8+s3], $0x5000, $0x38;
	[tilespmem:$0x19DC0] =	vst v63  }
0x2c: {  	_ =	swait.ge [sflag:s14], $0x1400  }
0x2d: {  	[sflag:s14] =	ssyncset.done $0x0  }
0x2e: {  	[sflag:s14] =	ssyncadd.s32 $0xFFFFEC00  }
0x2f: {  	_ =	swait.ge [sflag:s15], $0x5000  }
0x30: {  	[sflag:s15] =	ssyncset.done $0x0  }
0x31: {  	[sflag:s15] =	ssyncadd.s32 $0xFFFFB000  }
.Ltmp2:
0x32: {  	_ =	swait.ge [sflag:s16], $0x5000;
	(pc) =	sbr.rel .LBB2_2-.Ltmp2, $4  }
0x33: {  	[sflag:s16] =	ssyncset.done $0x0  }
0x34: {  	[sflag:s16] =	ssyncadd.s32 $0xFFFFB000  }
0x35: {  	[bflag:$0x0] =	sbarrier.arrive $0xFFFF  }
0x36: {  	s30 =	simm.s32 $0xFFFFFFFE;
	s31 =	simm.s32 $0xFFFFFFFD;
	s29 =	simm.s32 $0x0  }
.LBB2_7:
0x37: {  	_ =	swait.ge [sflag:s20], $0x1F40  }
0x38: {  	[sflag:s20] =	ssyncset.done $0x0  }
0x39: {  	[sflag:s20] =	ssyncadd.s32 $0xFFFFE0C0  }
.LBB2_9:
0x3a: {  	s0 =	sadd.s32 $0x80, s0  }
0x3b: {  	[tilespmem:s21], [sflag:$0x2] =	stream.indirect.gather [hbm4b:s9+s17], $0x40, s0, s17, $0xb8;
	[tilespmem:$0x19DC0] =	vst v63  }
.LBB2_10:
0x3c: {  	s0 =	simm.s32 @!p0 $0x3  }
0x3d: {  	_ =	swait.ge @!p0 [sflag:s0], $0x1F40  }
0x3e: {  	[sflag:s0] =	ssyncset.done @!p0 $0x0  }
0x3f: {  	s1 =	simm.s32 @!p0 $0x7D;
	[sflag:s0] =	ssyncadd.s32 @!p0 $0xFFFFE0C0;
	s0 =	sshra.s32 @!p0 s29, $0x2  }
0x40: {  	s13 =	simm.s32 @!p0 $0xDE80;
	s29 =	sadd.s32 $0x600, s29;
	s0 =	sadd.s32 @!p0 $0x4F80, s0  }
0x41: {  	[spmem:s2] =	stream.indirect.scatter.add.f32 @!p0 [tilespmem:s13], [sflag:$0x6], $0x40, s0, s1, $0xb8;
	[tilespmem:$0x19DC0] =	vst v63  }
0x42: {  	p0 =	sne.s32 s29, $0x14400  }
.Ltmp3:
0x43: {  	_ = 	snop;
	(pc) =	sbr.rel @!p0 .LBB2_11-.Ltmp3, $2  }
0x44: {  	_ =	sdelay $0x2  }
0x45: {  	s31 =	sadd.s32 $0x3, s31  }
.LBB2_2:
0x46: {  	p0 =	sgt.u32 s31, $0x9D  }
.Ltmp4:
0x47: {  	p1 =	sgt.u32 s30, $0x33;
	(pc) =	sbr.rel @p0 .LBB2_4-.Ltmp4, $4  }
0x48: {  	s0 =	simm.s32 @!p1 $0x6  }
0x49: {  	_ =	swait.ge @!p1 [sflag:s0], $0x1F40  }
0x4a: {  	[sflag:s0] =	ssyncset.done @!p1 $0x0  }
0x4b: {  	[sflag:s0] =	ssyncadd.s32 @!p1 $0xFFFFE0C0;
	s0 =	sshra.s32 s29, $0x2  }
.Ltmp5:
0x4c: {  	(pc) =	sbr.rel .LBB2_5-.Ltmp5, $3  }
0x4d: {  	_ =	sdelay $0x1  }
0x4e: {  	s1 =	sadd.s32 $0xFFFFFF80, s0  }
0x4f: {  	[tilespmem:s18], [sflag:$0x3] =	stream.indirect.gather [hbm4b:s9+s17], $0x40, s1, s17, $0xb8;
	[tilespmem:$0x19DC0] =	vst v63  }
.LBB2_4:
0x50: {  	p1 =	sgt.u32 s31, $0x9F  }
.Ltmp6:
0x51: {  	_ = 	snop;
	(pc) =	sbr.rel @p1 .LBB2_6-.Ltmp6, $1  }
0x52: {  	_ =	sdelay $0x3  }
.LBB2_5:
0x53: {  	_ =	swait.ge [sflag:s14], $0x1F40  }
0x54: {  	[sflag:s14] =	ssyncset.done $0x0  }
0x55: {  	s1 =	sadd.s32 $0x4E80, s0;
	[sflag:s14] =	ssyncadd.s32 $0xFFFFE0C0  }
0x56: {  	[spmem:s2] =	stream.indirect.scatter.add.f32 [tilespmem:s19], [sflag:$0x4], $0x40, s1, s17, $0xb8;
	[tilespmem:$0x19DC0] =	vst v63  }
.LBB2_6:
0x57: {  	p1 =	sgt.u32 s31, $0x7FFFFFFE  }
0x58: {  	s1 =	simm.s32 @!p1 $0x4  }
0x59: {  	_ =	swait.ge @!p1 [sflag:s1], $0x1F40  }
0x5a: {  	[sflag:s1] =	ssyncset.done @!p1 $0x0  }
0x5b: {  	[sflag:s1] =	ssyncadd.s32 @!p1 $0xFFFFE0C0;
	p1 =	sgt.u32 s31, $0x9E  }
0x5c: {  	[tilespmem:s19], [sflag:$0x1] =	stream.indirect.gather [hbm4b:s9+s17], $0x40, s0, s17, $0xb8;
	[tilespmem:$0x19DC0] =	vst v63  }
0x5d: {  	s1 =	simm.s32 @!p1 $0x2  }
0x5e: {  	_ =	swait.ge @!p1 [sflag:s1], $0x1F40  }
0x5f: {  	[sflag:s1] =	ssyncset.done @!p1 $0x0  }
0x60: {  	s30 =	sadd.s32 $0x1, s30;
	[sflag:s1] =	ssyncadd.s32 @!p1 $0xFFFFE0C0;
	s1 =	sshra.s32 @!p1 s29, $0x2  }
0x61: {  	s13 =	simm.s32 @!p1 $0x7D;
	s24 =	simm.s32 @!p1 $0xBF40;
	s1 =	sadd.s32 @!p1 $0x4F00, s1  }
0x62: {  	[spmem:s2] =	stream.indirect.scatter.add.f32 @!p1 [tilespmem:s24], [sflag:$0x5], $0x40, s1, s13, $0xb8;
	[tilespmem:$0x19DC0] =	vst v63  }
0x63: {  	p1 =	sgt.u32 s30, $0x33  }
.Ltmp7:
0x64: {  	_ = 	snop;
	(pc) =	sbr.rel @!p1 .LBB2_7-.Ltmp7, $1  }
0x65: {  	_ =	sdelay $0x3  }
0x66: {  	p2 =	sgt.s32 s30, $0x33  }
.Ltmp8:
0x67: {  	_ = 	snop;
	(pc) =	sbr.rel @p2 .LBB2_10-.Ltmp8, $4  }
.Ltmp9:
0x68: {  	_ = 	snop;
	(pc) =	sbr.rel @!p2 .LBB2_9-.Ltmp9, $4  }
0x69: {  	_ = 	snop  }
0x6a: {  	_ = 	snop  }
0x6b: {  	_ = 	snop  }
0x6c: {  	_ = 	snop  }
.LBB2_12:
0x6d: {  	_ =	sfence.sel $0x180000  }
0x6e: {  	[bflag:$0x0] =	sbarrier.arrive $0xFFFF  }
0x6f: {  	_ =	strace $0x90000047  }
0x70: {  	s0 =	stileid.u32;
	[bflag:$0x2] =	sbarrier.arrive $0xFFFF  }
0x71: {  	p0 =	sne.s32 s0, $0x0;
	s0 =	rddreg [dreg:$0x3]  }
0x72: {  	s0 =	sadd.s32 @!p0 $0x100000, s0  }
0x73: {  	[sflag:s0] =	ssyncadd.tile.s32 @!p0 $0x1;
	_ =	shalt  }
.Lfunc_end2:
_tile_overlayer_lowered:
.L_overlay_start_2:
0x74: {  	(tag) =	ssettag $0x2  }
0x75: {  	s0 =	rddreg [dreg:$0x0];
	s2 =	stileid.u32  }
0x76: {  	s1 =	rddreg [dreg:$0x1];
	p0 =	sne.s32 s2, $0x0  }
0x77: {  	s3 =	rddreg [dreg:$0x2];
	[bflag:$0x3] =	sbarrier.arrive $0xFFFF;
	s2 =	simm.s32 @!p0 $0x1C07  }
0x78: {  	[timem:s3], [sflag:s2] =	dma.local @!p0 [hbm:s0], s1  }
0x79: {  	s0 =	simm.s32 @!p0 $0x7  }
0x7a: {  	_ =	swait.ge @!p0 [sflag:s0], s1  }
0x7b: {  	s1 =	ssub.s32 @!p0 $0x0, s1;
	[sflag:s0] =	ssyncset.done @!p0 $0x0  }
0x7c: {  	[sflag:s0] =	ssyncadd.s32 @!p0 s1  }
0x7d: {  	[bflag:$0x3] =	sbarrier.arrive $0xFFFF  }
0x7e: {  	_ =	shalt  }

// kernel: kernel.9.cloned.1.call-start
scs
__scs_entry_jumppad:
0x0: {  	(pc) =	sbr.rel $0x88, $3  }
0x1: {  	(tag) =	ssettag $0x0;
	lr =	simm.s32 $0x1  }
0x2: {  	[smem:$0x3F95] =	sst lr;
	_ =	strace $0xD0000000  }
0x3: {  	_ = 	snop  }
0x4: {  	_ = 	snop  }
0x5: {  	_ = 	snop  }
0x6: {  	_ = 	snop  }
0x7: {  	_ = 	snop  }
__scs_overlays_trampoline_lowered:
0x8: {  	[smem:$0x3FA4] =	sst s0  }
0x9: {  	[smem:$0x3FA5] =	sst s1  }
0xa: {  	[smem:$0x3FA6] =	sst s2  }
0xb: {  	[smem:$0x3FA7] =	sst s3  }
0xc: {  	[smem:$0x3FA8] =	sst s4  }
0xd: {  	[smem:$0x3FA9] =	sst s5  }
0xe: {  	[smem:$0x3FAA] =	sst s6  }
0xf: {  	[smem:$0x3FAB] =	sst s7  }
0x10: {  	[smem:$0x3FAC] =	sst s8  }
0x11: {  	[smem:$0x3FAD] =	sst s9;
	s0 =	simm.s32 @!p0 $0x0  }
0x12: {  	s1 =	sld [smem:$0x3F93];
	s0 =	simm.s32 @p0 $0x1  }
0x13: {  	[smem:$0x3FAE] =	sst s0;
	s0 =	simm.s32 @!p1 $0x0  }
0x14: {  	s2 =	sld [smem:$0x3F92];
	s0 =	simm.s32 @p1 $0x1  }
0x15: {  	[smem:$0x3FAF] =	sst s0;
	s0 =	simm.s32 @!p2 $0x0  }
0x16: {  	s3 =	sld [smem:$0x3FDB];
	s0 =	simm.s32 @p2 $0x1  }
0x17: {  	s4 =	simm.s32 $0x1BF5;
	[smem:$0x3FB1] =	sst s0  }
0x18: {  	s0 =	sld [smem:$0x3F94];
	_ =	swait.ge [sflag:s4], $0x0  }
0x19: {  	s7 =	sld [smem:$0x3F95]  }
0x1a: {  	s8 =	sadd.s32 $0xFFFFE003, lr  }
0x1b: {  	s9 =	sadd.s32 $0xFFFFFEF7, lr;
	s5 =	simm.s32 $0xFFFFFFFF;
	p2 =	slt.u32 s8, $0xFFFFF086  }
0x1c: {  	p1 =	slt.u32 s9, $0xF7A;
	s5 =	simm.s32 @!p2 $0x0  }
0x1d: {  	s5 =	simm.s32 @p1 $0x1;
	p0 =	seq.s32 s7, s2  }
0x1e: {  	s7 =	smul.u32 @!p0 $0xF7A, s2;
	p2 =	seq.s32 @!p0 s5, $0x0  }
0x1f: {  	s9 =	smul.u32 $0xF7A, s1;
	s8 =	simm.s32 @!p0 $0x1BF5;
	p2 =	por !p2, p0  }
0x20: {  	[sflag:s8] =	ssyncset.s32 @!p0 $0xFFFFF086;
	s6 =	sadd.s32 @!p0 s3, s7;
	s7 =	simm.s32 @!p0 $0x108  }
0x21: {  	s3 =	sadd.s32 s3, s9;
	s6 =	sadd.s32 @!p0 $0x88, s6;
	s7 =	simm.s32 @p2 $0x1082  }
0x22: {  	[simem:s7], [sflag:s8] =	dma.local @!p0 [hbm:s6], $0xF7A  }
0x23: {  	s9 =	sor.u32 $0xD0000000, s2;
	s6 =	simm.s32 $0x108;
	_ =	swait.ge @!p0 [sflag:s8], $0x0  }
0x24: {  	s3 =	sadd.s32 $0x88, s3;
	s6 =	simm.s32 @!p1 $0x1082;
	[sflag:s4] =	ssyncset.s32 $0xFFFFF086  }
0x25: {  	[simem:s6], [sflag:s4] =	dma.local [hbm:s3], $0xF7A  }
0x26: {  	[smem:$0x3F95] =	sst s1;
	(tag) =	ssettag s2;
	_ =	strace s9  }
0x27: {  	s1 =	sld [smem:$0x3FA5]  }
0x28: {  	s2 =	sld [smem:$0x3FA6]  }
0x29: {  	s4 =	sld [smem:$0x3FA8]  }
0x2a: {  	p0 =	seq.s32 s5, $0x0;
	s5 =	sld [smem:$0x3FA9]  }
0x2b: {  	s6 =	sld [smem:$0x3FAA]  }
0x2c: {  	s7 =	sld [smem:$0x3FAB]  }
0x2d: {  	s3 =	simm.s32 $0x108;
	s8 =	sld [smem:$0x3FAC]  }
0x2e: {  	s3 =	simm.s32 @!p0 $0x1082;
	s9 =	sld [smem:$0x3FAD]  }
0x2f: {  	lr =	sadd.s32 s0, s3;
	s0 =	sld [smem:$0x3FA4]  }
0x30: {  	s3 =	sld [smem:$0x3FA7]  }
0x31: {  	[smem:$0x3FB0] =	sst s10  }
0x32: {  	s10 =	sld [smem:$0x3FAE];
	_ =	sdelay $0x3  }
0x33: {  	p0 =	seq.s32 s10, $0x1;
	s10 =	sld [smem:$0x3FB0];
	_ =	sdelay $0x3  }
0x34: {  	[smem:$0x3FB0] =	sst s10  }
0x35: {  	s10 =	sld [smem:$0x3FAF];
	_ =	sdelay $0x3  }
0x36: {  	p1 =	seq.s32 s10, $0x1;
	s10 =	sld [smem:$0x3FB0];
	_ =	sdelay $0x3  }
0x37: {  	[smem:$0x3FB0] =	sst s10  }
0x38: {  	s10 =	sld [smem:$0x3FB1]  }
0x39: {  	_ = 	snop;
	(pc) =	sbr.ind lr, $3  }
0x3a: {  	_ = 	snop  }
0x3b: {  	_ = 	snop  }
0x3c: {  	p2 =	seq.s32 s10, $0x1;
	s10 =	sld [smem:$0x3FB0]  }
0x3d: {  	_ =	shalt  }
0x3e: {  	_ =	shalt  }
0x3f: {  	_ =	shalt  }
0x40: {  	_ =	shalt  }
0x41: {  	_ =	shalt  }
0x42: {  	_ =	shalt  }
0x43: {  	_ =	shalt  }
0x44: {  	_ =	shalt  }
0x45: {  	_ =	shalt  }
0x46: {  	_ =	shalt  }
0x47: {  	_ =	shalt  }
0x48: {  	_ =	shalt  }
0x49: {  	_ =	shalt  }
0x4a: {  	_ =	shalt  }
0x4b: {  	_ =	shalt  }
0x4c: {  	_ =	shalt  }
0x4d: {  	_ =	shalt  }
0x4e: {  	_ =	shalt  }
0x4f: {  	_ =	shalt  }
0x50: {  	_ =	shalt  }
0x51: {  	_ =	shalt  }
0x52: {  	_ =	shalt  }
0x53: {  	_ =	shalt  }
0x54: {  	_ =	shalt  }
0x55: {  	_ =	shalt  }
0x56: {  	_ =	shalt  }
0x57: {  	_ =	shalt  }
0x58: {  	_ =	shalt  }
0x59: {  	_ =	shalt  }
0x5a: {  	_ =	shalt  }
0x5b: {  	_ =	shalt  }
0x5c: {  	_ =	shalt  }
0x5d: {  	_ =	shalt  }
0x5e: {  	_ =	shalt  }
0x5f: {  	_ =	shalt  }
0x60: {  	_ =	shalt  }
0x61: {  	_ =	shalt  }
0x62: {  	_ =	shalt  }
0x63: {  	_ =	shalt  }
0x64: {  	_ =	shalt  }
0x65: {  	_ =	shalt  }
0x66: {  	_ =	shalt  }
0x67: {  	_ =	shalt  }
0x68: {  	_ =	shalt  }
0x69: {  	_ =	shalt  }
0x6a: {  	_ =	shalt  }
0x6b: {  	_ =	shalt  }
0x6c: {  	_ =	shalt  }
0x6d: {  	_ =	shalt  }
0x6e: {  	_ =	shalt  }
0x6f: {  	_ =	shalt  }
0x70: {  	_ =	shalt  }
0x71: {  	_ =	shalt  }
0x72: {  	_ =	shalt  }
0x73: {  	_ =	shalt  }
0x74: {  	_ =	shalt  }
0x75: {  	_ =	shalt  }
0x76: {  	_ =	shalt  }
0x77: {  	_ =	shalt  }
0x78: {  	_ =	shalt  }
0x79: {  	_ =	shalt  }
0x7a: {  	_ =	shalt  }
0x7b: {  	_ =	shalt  }
0x7c: {  	_ =	shalt  }
0x7d: {  	_ =	shalt  }
0x7e: {  	_ =	shalt  }
0x7f: {  	_ =	shalt  }
0x80: {  	_ =	shalt  }
0x81: {  	_ =	shalt  }
0x82: {  	_ =	shalt  }
0x83: {  	_ =	shalt  }
0x84: {  	_ =	shalt  }
0x85: {  	_ =	shalt  }
0x86: {  	_ =	shalt  }
0x87: {  	_ =	shalt  }
.Lfunc_end0:
.L_simem_size_0:
called_computation.1_lowered:
.L_overlay_start_0:
0x88: {  	s2 =	sld [smem:$0x3FD9]  }
0x89: {  	s3 =	sld [smem:$0x3FFE];
	_ =	sdelay $0x1  }
0x8a: {  	s1 =	srdreg.scid  }
0x8b: {  	s0 =	sand.u32 $0x1, s1  }
0x8c: {  	s17 =	sshll.u32 s0, $0xA;
	s2 =	sadd.s32 s3, s2  }
0x8d: {  	s2 =	sadd.s32 s2, s17  }
0x8e: {  	[smem:$0x3FBC] =	sst s2  }
0x8f: {  	_ = 	snop  }
0x90: {  	s2 =	sld [smem:$0x3FD0];
	(tm) =	ssettm $0x1  }
0x91: {  	s18 =	sld [smem:$0x3FFB];
	_ =	sdelay $0x3  }
0x92: {  	_ =	strace s18  }
0x93: {  	s3 =	sld [smem:$0x3FFC];
	_ =	sdelay $0x3  }
0x94: {  	_ =	strace s3  }
0x95: {  	s3 =	sld [smem:$0x3FFD];
	_ =	sdelay $0x3  }
0x96: {  	_ =	strace s3  }
0x97: {  	_ =	strace $0x8FFFFFFF  }
0x98: {  	s19 =	sld [smem:$0x3FDB];
	_ =	sdelay $0x1  }
0x99: {  	s4 =	simm.s32 $_scs_section_size  }
0x9a: {  	s5 =	simm.s32 $_size__tile_overlayer_lowered;
	s6 =	simm.s32 $_tile_overlayer_lowered  }
0x9b: {  	s22 =	simm.s32 $0x1BFF;
	s21 =	sshll.u32 s6, $0x1;
	s3 =	sadd.s32 s4, s19  }
0x9c: {  	s7 =	simm.s32 $0x0;
	s20 =	sshll.u32 s5, $0x1;
	s5 =	sadd.s32 s21, s3  }
0x9d: {  	[timem:s7], [sflag:s22] =	dma.local [hbm:s5], s20  }
0x9e: {  	_ =	swait.ge [sflag:s22], s20  }
0x9f: {  	s4 =	ssub.s32 $0x0, s20;
	[sflag:s22] =	ssyncset.done $0x0  }
0xa0: {  	[sflag:s22] =	ssyncadd.s32 s4;
	_ =	sdelay $0x1  }
0xa1: {  	s23 =	simm.s32 $0x1B8B  }
0xa2: {  	_ =	swait.ge [sflag:s23], $0x1  }
0xa3: {  	[sflag:s23] =	ssyncset.done $0x0  }
0xa4: {  	s25 =	simm.s32 $0x1B8E;
	s24 =	sld [smem:$0x3FFE];
	[sflag:s23] =	ssyncadd.s32 $0xFFFFFFFF  }
0xa5: {  	s26 =	simm.s32 $execute0_lowered;
	[smem:$0x3FD2] =	sst s25  }
0xa6: {  	s5 =	sshll.u32 s26, $0x1;
	_ =	strace $0x80000049;
	[dreg:$0x1] =	wrdreg $0xFFFFFFFF  }
0xa7: {  	s28 =	simm.s32 $_size_execute0_lowered;
	s3 =	sadd.s32 s3, s5;
	[dreg:$0x0] =	wrdreg $0x0  }
0xa8: {  	s5 =	sshll.u32 s28, $0x1;
	[dreg:$0x2] =	wrdreg s3  }
0xa9: {  	[dreg:$0x3] =	wrdreg s5  }
0xaa: {  	[dreg:$0x4] =	wrdreg $0xC0  }
0xab: {  	_ =	task [dreg:s7], $0x5FFFF  }
0xac: {  	[dreg:$0x1] =	wrdreg $0xFFFFFFFF  }
0xad: {  	[dreg:$0x0] =	wrdreg $0x60  }
0xae: {  	[dreg:$0x2] =	wrdreg s2  }
0xaf: {  	[dreg:$0x3] =	wrdreg s24  }
0xb0: {  	[dreg:$0x4] =	wrdreg $0xFDC00  }
0xb1: {  	[dreg:$0x5] =	wrdreg $0x9  }
0xb2: {  	_ =	task.clear_ibuf [dreg:s7], $0x6FFFF;
	_ =	strace $0x90000049  }
0xb3: {  	s29 =	simm.s32 $0x9;
	_ =	strace $0x8000004B  }
0xb4: {  	_ =	swait.ge [sflag:s29], $0x1  }
0xb5: {  	[sflag:s29] =	ssyncadd.s32 $0xFFFFFFFF  }
0xb6: {  	_ =	strace $0x9000004B  }
0xb7: {  	_ =	sfence  }
0xb8: {  	s30 =	sld [smem:$0x0];
	_ =	sdelay $0x2  }
0xb9: {  	s31 =	sshll.u32 s1, $0xD;
	s1 =	sshrl.u32 s1, $0x2  }
0xba: {  	s3 =	sand.u32 $0x4000, s31;
	s1 =	sadd.s32 s1, s30  }
0xbb: {  	s0 =	sor.u32 s3, s0;
	s1 =	sshll.u32 s1, $0x11  }
0xbc: {  	s0 =	sor.u32 s1, s0  }
0xbd: {  	s0 =	sadd.s32 $0x8F2B, s0  }
0xbe: {  	[sflag:s0] =	ssyncadd.remote.s32 $0x1  }
0xbf: {  	_ =	sfence.sel $0xFFFF  }
0xc0: {  	[dreg:$0x0] =	wrdreg $0xFFFFFFFF;
	(pc) =	sbr.abs _section_cstart, $3  }
0xc1: {  	[dreg:$0x1] =	wrdreg $0xFFFFFFFF  }
0xc2: {  	_ =	task.clear_ibuf [dreg:s7], $0x2FFFF;
	_ =	strace $0x9FFFFFFF  }
0xc3: {  	(tm) =	ssettm $0x7FFFFFFF  }
tec
execute0_lowered:
.L_overlay_start_1:
0x0: {  	(tag) =	ssettag $0x1  }
0x1: {  	s0 =	rddreg [dreg:$0x0]  }
0x2: {  	s5 =	rddreg [dreg:$0x1]  }
0x3: {  	s2 =	rddreg [dreg:$0x2];
	s1 =	stileid.u32  }
0x4: {  	s6 =	srdreg.scid;
	s3 =	simm.s32 $0x0;
	s14 =	simm.s32 $0x1  }
0x5: {  	s15 =	simm.s32 $0x2;
	s16 =	simm.s32 $0x3;
	s17 =	simm.s32 $0x7D  }
0x6: {  	s18 =	simm.s32 $0xDE80;
	s19 =	simm.s32 $0xA000;
	s20 =	simm.s32 $0x5  }
0x7: {  	s21 =	simm.s32 $0xBF40;
	s22 =	simm.s32 $0x4;
	s4 =	smul.u32 $0xA00, s1  }
0x8: {  	s23 =	simm.s32 $0x6;
	s28 =	simm.s32 $0x0;
	s24 =	smul.u32 $0x14000, s1  }
0x9: {  	s7 =	sand.u32 $0x1, s6;
	[smem:$0x7FF] =	sst s3;
	s10 =	smul.u32 $0x28000, s1  }
0xa: {  	s8 =	sshll.u32 s7, $0x6;
	_ =	strace $0x8000004A;
	s26 =	ssub.s32 $0x2, s7  }
0xb: {  	s31 =	sshll.u32 s7, $0x3;
	s9 =	sadd.s32 s4, s5;
	s25 =	sor.u32 s8, s24  }
0xc: {  	s4 =	sadd.s32 $0x16A00, s5;
	s29 =	sshrl.u32 s26, $0x1;
	s30 =	sshrl.u32 s10, $0x2  }
.Ltmp0:
0xd: {  	s6 =	sshrl.u32 s25, $0x3;
	s12 =	ssub.s32 s26, s29;
	(pc) =	sbr.rel .LBB2_1-.Ltmp0, $4  }
0xe: {  	s13 =	sadd.s32 s30, s2;
	s7 =	sadd.s32 $0x2A00, s9;
	s8 =	sadd.s32 $0xCA00, s9  }
0xf: {  	s9 =	sadd.s32 s0, s31;
	s11 =	sadd.s32 s6, s5;
	s5 =	sshll.u32 s1, $0x6  }
0x10: {  	s25 =	simm.s32 $0x8;
	s26 =	simm.s32 $0x7;
	s6 =	sor.u32 $0x1C01, s5  }
0x11: {  	s10 =	sadd.s32 $0x17E00, s11;
	s11 =	smax.u32 s12, $0x1;
	s12 =	sshrl.u32 s13, $0x3  }
.LBB2_11:
0x12: {  	s0 =	simm.s32 @!p1 $0x6  }
0x13: {  	_ =	swait.ge @!p1 [sflag:s0], $0x1F40  }
0x14: {  	[sflag:s0] =	ssyncset.done @!p1 $0x0  }
0x15: {  	[sflag:s0] =	ssyncadd.s32 @!p1 $0xFFFFE0C0  }
0x16: {  	_ =	swait.ge [sflag:s14], $0x1F40  }
0x17: {  	s30 =	sshra.s32 s29, $0x2;
	[sflag:s14] =	ssyncset.done $0x0  }
0x18: {  	s0 =	sadd.s32 $0x4E80, s30;
	[sflag:s14] =	ssyncadd.s32 $0xFFFFE0C0  }
0x19: {  	[spmem:s2] =	stream.indirect.scatter.add.f32 [tilespmem:s19], [sflag:$0x4], $0x40, s0, s17, $0xb8;
	[tilespmem:$0x19DC0] =	vst v63  }
0x1a: {  	_ =	swait.ge [sflag:s22], $0x1F40  }
0x1b: {  	[sflag:s22] =	ssyncset.done $0x0  }
0x1c: {  	[sflag:s22] =	ssyncadd.s32 $0xFFFFE0C0  }
0x1d: {  	_ =	swait.ge [sflag:s20], $0x1F40  }
0x1e: {  	[sflag:s20] =	ssyncset.done $0x0  }
0x1f: {  	[sflag:s20] =	ssyncadd.s32 $0xFFFFE0C0  }
0x20: {  	_ =	swait.ge [sflag:s23], $0x1F40  }
0x21: {  	s28 =	sadd.s32 $0x1, s28;
	[sflag:s23] =	ssyncset.done $0x0  }
0x22: {  	s31 =	sor.u32 $0x1C07, s5;
	p0 =	sne.s32 s28, s11;
	[sflag:s23] =	ssyncadd.s32 $0xFFFFE0C0  }
.Ltmp1:
0x23: {  	s1 =	simm.s32 $0x10;
	[bflag:$0x0] =	sbarrier.arrive $0xFFFF;
	(pc) =	sbr.rel @!p0 .LBB2_12-.Ltmp1, $4  }
0x24: {  	[hbm:s10@s1], [sflag:s31] =	dma.strided [spmem:s12@s25], $0x1400, s14, $0x8   }
0x25: {  	_ =	swait.ge [sflag:s26], $0x1400  }
0x26: {  	[sflag:s26] =	ssyncset.done $0x0  }
0x27: {  	[sflag:s26] =	ssyncadd.s32 $0xFFFFEC00  }
.LBB2_1:
0x28: {  	[spmem:s12], [sflag:s6] =	dma.local [hbm:s4], $0x1400  }
0x29: {  	[tilespmem:s3], [sflag:$0x2] =	stream.linear.gather [hbm4b:s7+s3], $0x5000, $0x38;
	[tilespmem:$0x19DC0] =	vst v63  }
0x2a: {  	s0 =	simm.s32 $0x5000  }
0x2b: {  	[tilespmem:s0], [sflag:$0x3] =	stream.linear.gather [hbm4b:s8+s3], $0x5000, $0x38;
	[tilespmem:$0x19DC0] =	vst v63  }
0x2c: {  	_ =	swait.ge [sflag:s14], $0x1400  }
0x2d: {  	[sflag:s14] =	ssyncset.done $0x0  }
0x2e: {  	[sflag:s14] =	ssyncadd.s32 $0xFFFFEC00  }
0x2f: {  	_ =	swait.ge [sflag:s15], $0x5000  }
0x30: {  	[sflag:s15] =	ssyncset.done $0x0  }
0x31: {  	[sflag:s15] =	ssyncadd.s32 $0xFFFFB000  }
.Ltmp2:
0x32: {  	_ =	swait.ge [sflag:s16], $0x5000;
	(pc) =	sbr.rel .LBB2_2-.Ltmp2, $4  }
0x33: {  	[sflag:s16] =	ssyncset.done $0x0  }
0x34: {  	[sflag:s16] =	ssyncadd.s32 $0xFFFFB000  }
0x35: {  	[bflag:$0x0] =	sbarrier.arrive $0xFFFF  }
0x36: {  	s30 =	simm.s32 $0xFFFFFFFE;
	s31 =	simm.s32 $0xFFFFFFFD;
	s29 =	simm.s32 $0x0  }
.LBB2_7:
0x37: {  	_ =	swait.ge [sflag:s20], $0x1F40  }
0x38: {  	[sflag:s20] =	ssyncset.done $0x0  }
0x39: {  	[sflag:s20] =	ssyncadd.s32 $0xFFFFE0C0  }
.LBB2_9:
0x3a: {  	s0 =	sadd.s32 $0x80, s0  }
0x3b: {  	[tilespmem:s21], [sflag:$0x2] =	stream.indirect.gather [hbm4b:s9+s17], $0x40, s0, s17, $0xb8;
	[tilespmem:$0x19DC0] =	vst v63  }
.LBB2_10:
0x3c: {  	s0 =	simm.s32 @!p0 $0x3  }
0x3d: {  	_ =	swait.ge @!p0 [sflag:s0], $0x1F40  }
0x3e: {  	[sflag:s0] =	ssyncset.done @!p0 $0x0  }
0x3f: {  	s1 =	simm.s32 @!p0 $0x7D;
	[sflag:s0] =	ssyncadd.s32 @!p0 $0xFFFFE0C0;
	s0 =	sshra.s32 @!p0 s29, $0x2  }
0x40: {  	s13 =	simm.s32 @!p0 $0xDE80;
	s29 =	sadd.s32 $0x600, s29;
	s0 =	sadd.s32 @!p0 $0x4F80, s0  }
0x41: {  	[spmem:s2] =	stream.indirect.scatter.add.f32 @!p0 [tilespmem:s13], [sflag:$0x6], $0x40, s0, s1, $0xb8;
	[tilespmem:$0x19DC0] =	vst v63  }
0x42: {  	p0 =	sne.s32 s29, $0x14400  }
.Ltmp3:
0x43: {  	_ = 	snop;
	(pc) =	sbr.rel @!p0 .LBB2_11-.Ltmp3, $2  }
0x44: {  	_ =	sdelay $0x2  }
0x45: {  	s31 =	sadd.s32 $0x3, s31  }
.LBB2_2:
0x46: {  	p0 =	sgt.u32 s31, $0x9D  }
.Ltmp4:
0x47: {  	p1 =	sgt.u32 s30, $0x33;
	(pc) =	sbr.rel @p0 .LBB2_4-.Ltmp4, $4  }
0x48: {  	s0 =	simm.s32 @!p1 $0x6  }
0x49: {  	_ =	swait.ge @!p1 [sflag:s0], $0x1F40  }
0x4a: {  	[sflag:s0] =	ssyncset.done @!p1 $0x0  }
0x4b: {  	[sflag:s0] =	ssyncadd.s32 @!p1 $0xFFFFE0C0;
	s0 =	sshra.s32 s29, $0x2  }
.Ltmp5:
0x4c: {  	(pc) =	sbr.rel .LBB2_5-.Ltmp5, $3  }
0x4d: {  	_ =	sdelay $0x1  }
0x4e: {  	s1 =	sadd.s32 $0xFFFFFF80, s0  }
0x4f: {  	[tilespmem:s18], [sflag:$0x3] =	stream.indirect.gather [hbm4b:s9+s17], $0x40, s1, s17, $0xb8;
	[tilespmem:$0x19DC0] =	vst v63  }
.LBB2_4:
0x50: {  	p1 =	sgt.u32 s31, $0x9F  }
.Ltmp6:
0x51: {  	_ = 	snop;
	(pc) =	sbr.rel @p1 .LBB2_6-.Ltmp6, $1  }
0x52: {  	_ =	sdelay $0x3  }
.LBB2_5:
0x53: {  	_ =	swait.ge [sflag:s14], $0x1F40  }
0x54: {  	[sflag:s14] =	ssyncset.done $0x0  }
0x55: {  	s1 =	sadd.s32 $0x4E80, s0;
	[sflag:s14] =	ssyncadd.s32 $0xFFFFE0C0  }
0x56: {  	[spmem:s2] =	stream.indirect.scatter.add.f32 [tilespmem:s19], [sflag:$0x4], $0x40, s1, s17, $0xb8;
	[tilespmem:$0x19DC0] =	vst v63  }
.LBB2_6:
0x57: {  	p1 =	sgt.u32 s31, $0x7FFFFFFE  }
0x58: {  	s1 =	simm.s32 @!p1 $0x4  }
0x59: {  	_ =	swait.ge @!p1 [sflag:s1], $0x1F40  }
0x5a: {  	[sflag:s1] =	ssyncset.done @!p1 $0x0  }
0x5b: {  	[sflag:s1] =	ssyncadd.s32 @!p1 $0xFFFFE0C0;
	p1 =	sgt.u32 s31, $0x9E  }
0x5c: {  	[tilespmem:s19], [sflag:$0x1] =	stream.indirect.gather [hbm4b:s9+s17], $0x40, s0, s17, $0xb8;
	[tilespmem:$0x19DC0] =	vst v63  }
0x5d: {  	s1 =	simm.s32 @!p1 $0x2  }
0x5e: {  	_ =	swait.ge @!p1 [sflag:s1], $0x1F40  }
0x5f: {  	[sflag:s1] =	ssyncset.done @!p1 $0x0  }
0x60: {  	s30 =	sadd.s32 $0x1, s30;
	[sflag:s1] =	ssyncadd.s32 @!p1 $0xFFFFE0C0;
	s1 =	sshra.s32 @!p1 s29, $0x2  }
0x61: {  	s13 =	simm.s32 @!p1 $0x7D;
	s24 =	simm.s32 @!p1 $0xBF40;
	s1 =	sadd.s32 @!p1 $0x4F00, s1  }
0x62: {  	[spmem:s2] =	stream.indirect.scatter.add.f32 @!p1 [tilespmem:s24], [sflag:$0x5], $0x40, s1, s13, $0xb8;
	[tilespmem:$0x19DC0] =	vst v63  }
0x63: {  	p1 =	sgt.u32 s30, $0x33  }
.Ltmp7:
0x64: {  	_ = 	snop;
	(pc) =	sbr.rel @!p1 .LBB2_7-.Ltmp7, $1  }
0x65: {  	_ =	sdelay $0x3  }
0x66: {  	p2 =	sgt.s32 s30, $0x33  }
.Ltmp8:
0x67: {  	_ = 	snop;
	(pc) =	sbr.rel @p2 .LBB2_10-.Ltmp8, $4  }
.Ltmp9:
0x68: {  	_ = 	snop;
	(pc) =	sbr.rel @!p2 .LBB2_9-.Ltmp9, $4  }
0x69: {  	_ = 	snop  }
0x6a: {  	_ = 	snop  }
0x6b: {  	_ = 	snop  }
0x6c: {  	_ = 	snop  }
.LBB2_12:
0x6d: {  	_ =	sfence.sel $0x180000  }
0x6e: {  	[bflag:$0x0] =	sbarrier.arrive $0xFFFF  }
0x6f: {  	_ =	strace $0x9000004A  }
0x70: {  	s0 =	stileid.u32;
	[bflag:$0x2] =	sbarrier.arrive $0xFFFF  }
0x71: {  	p0 =	sne.s32 s0, $0x0;
	s0 =	rddreg [dreg:$0x3]  }
0x72: {  	s0 =	sadd.s32 @!p0 $0x100000, s0  }
0x73: {  	[sflag:s0] =	ssyncadd.tile.s32 @!p0 $0x1;
	_ =	shalt  }
.Lfunc_end2:
_tile_overlayer_lowered:
.L_overlay_start_2:
0x74: {  	(tag) =	ssettag $0x2  }
0x75: {  	s0 =	rddreg [dreg:$0x0];
	s2 =	stileid.u32  }
0x76: {  	s1 =	rddreg [dreg:$0x1];
	p0 =	sne.s32 s2, $0x0  }
0x77: {  	s3 =	rddreg [dreg:$0x2];
	[bflag:$0x3] =	sbarrier.arrive $0xFFFF;
	s2 =	simm.s32 @!p0 $0x1C07  }
0x78: {  	[timem:s3], [sflag:s2] =	dma.local @!p0 [hbm:s0], s1  }
0x79: {  	s0 =	simm.s32 @!p0 $0x7  }
0x7a: {  	_ =	swait.ge @!p0 [sflag:s0], s1  }
0x7b: {  	s1 =	ssub.s32 @!p0 $0x0, s1;
	[sflag:s0] =	ssyncset.done @!p0 $0x0  }
0x7c: {  	[sflag:s0] =	ssyncadd.s32 @!p0 s1  }
0x7d: {  	[bflag:$0x3] =	sbarrier.arrive $0xFFFF  }
0x7e: {  	_ =	shalt  }

</sc_bundles>
